<compile_context>
chip_gen: v7x
topology: tpu7x:2x2x1
jax: 0.10.2.dev20260603
libtpu: 0.0.44.dev20260713+nightly
codegen_flags: <defaults>
</compile_context>

<pallas_src>
import functools

import jax
import jax.numpy as jnp
from jax import lax
from jax.experimental import pallas as pl
from jax.experimental.pallas import tpu as pltpu
from jax.experimental.pallas import tpu_sc as plsc

_B, _ZD, _H, _W = 32, 64, 32, 32
_M = 1024
_MU = 0.99
_N = _B * _H * _W
_BN = 1024
_NBLK = _N // _BN
_NSUB = 16
_PPS = _N // _NSUB
_CHUNK = 512
_MROWS = _M // _NSUB


def _bdot(a, b, dims=(((1,), (0,)), ((), ()))):
    return jax.lax.dot_general(a, b, dims,
                               preferred_element_type=jnp.float32)


def _prelude(psum_ref, pelem_col_ref, w4_ref, b4_ref,
             e_out, g_out, c_out):
    e = psum_ref[...] / pelem_col_ref[...]
    e_out[...] = e
    g_out[...] = (-2.0 * _bdot(w4_ref[...].astype(jnp.float32), e,
                               (((1,), (1,)), ((), ())))).astype(jnp.bfloat16)
    c_out[...] = jnp.sum(e * (e - 2.0 * b4_ref[...]), axis=1)[None, :]


def _body(x_ref, pelem_row_ref,
          w1_ref, b1_ref, w2_ref, b2_ref, w3_ref, b3_ref, w4_ref, b4_ref,
          g_ref, c_ref, msplit_ref,
          z_out, belong_out, zi_out, pe_out):
    i = pl.program_id(0)

    @pl.when(i == 0)
    def _init():
        pe_out[...] = _MU * pelem_row_ref[...]

    x = x_ref[...].astype(jnp.bfloat16)
    h = jnp.tanh(_bdot(x, w1_ref[...]) + b1_ref[...]).astype(jnp.bfloat16)
    h = jnp.tanh(_bdot(h, w2_ref[...]) + b2_ref[...]).astype(jnp.bfloat16)
    h = jnp.tanh(_bdot(h, w3_ref[...]) + b3_ref[...]).astype(jnp.bfloat16)
    zz = _bdot(h, w4_ref[...]) + b4_ref[...]
    z_out[...] = zz

    dist = _bdot(h, g_ref[...]) + c_ref[...]

    dmin = jnp.min(dist, axis=1, keepdims=True)
    onehot = jnp.where(dist <= dmin, 1.0, 0.0)
    belong_out[...] = onehot

    s2 = _bdot(onehot.astype(jnp.bfloat16), msplit_ref[...])
    zi_out[...] = (32.0 * s2[:, 0:1] + s2[:, 1:2]).astype(jnp.int32)
    pe_out[...] += (1.0 - _MU) * jnp.sum(onehot, axis=0, keepdims=True)


def _sc_update(zi_ref, zz_ref, psum_ref, zps_ref,
               psn_ref,
               idx_v, zz_v, accv, priv, outv,
               acc_ps):
    c = lax.axis_index("c")
    s = lax.axis_index("s")

    @pl.when(jnp.logical_and(c == 0, s == 0))
    def _():
        pltpu.sync_copy(zps_ref, acc_ps)

    plsc.subcore_barrier()

    @pl.when(c == 0)
    def _():
        for k in range(_PPS // _CHUNK):
            base = pl.multiple_of(s * _PPS + k * _CHUNK, _CHUNK)
            pltpu.sync_copy(zz_ref.at[pl.ds(base, _CHUNK)], zz_v)
            for j in range(_CHUNK // 128):
                pltpu.sync_copy(zi_ref.at[pl.ds(base + j * 128, 128)], idx_v)
                pltpu.sync_copy(zz_v.at[pl.ds(j * 128, 128)],
                                acc_ps.at[idx_v], add=True)

    plsc.subcore_barrier()

    @pl.when(c == 0)
    def _():
        r0 = pl.multiple_of(s * _MROWS, _MROWS)
        pltpu.sync_copy(acc_ps.at[pl.ds(r0, _MROWS)], accv)
        pltpu.sync_copy(psum_ref.at[pl.ds(r0, _MROWS)], priv)

        def row(r, carry):
            for cc in range(_ZD // 16):
                sl = (r, pl.ds(cc * 16, 16))
                outv[sl] = _MU * priv[sl] + (1.0 - _MU) * accv[sl]
            return carry
        lax.fori_loop(0, _MROWS, row, 0)

        pltpu.sync_copy(outv, psn_ref.at[pl.ds(r0, _MROWS)])


@functools.partial(jax.jit, static_argnames=("interpret",))
def kernel(z, prior_sum, prior_elem, W1, b1, W2, b2, W3, b3, W4, b4,
           interpret=False):
    x = jnp.transpose(z, (0, 2, 3, 1)).reshape(_N, _ZD)
    pelem_col = prior_elem.reshape(_M, 1)
    bf = jnp.bfloat16
    w1, w2, w3, w4 = W1.T.astype(bf), W2.T.astype(bf), W3.T.astype(bf), W4.T.astype(bf)
    mm = jnp.arange(_M, dtype=jnp.int32)
    msplit = jnp.stack([mm // 32, mm % 32], axis=1).astype(bf)

    full = lambda shape: pl.BlockSpec(shape, lambda *_: tuple(0 for _ in shape))

    e, g, c = pl.pallas_call(
        _prelude,
        in_specs=[full((_M, _ZD)), full((_M, 1)), full((_ZD * 4, _ZD)),
                  full((1, _ZD))],
        out_specs=[full((_M, _ZD)), full((_ZD * 4, _M)), full((1, _M))],
        out_shape=[jax.ShapeDtypeStruct((_M, _ZD), jnp.float32),
                   jax.ShapeDtypeStruct((_ZD * 4, _M), jnp.bfloat16),
                   jax.ShapeDtypeStruct((1, _M), jnp.float32)],
        interpret=interpret,
    )(prior_sum, pelem_col, w4, b4.reshape(1, -1))

    zflat, belong, zi, pe_new = pl.pallas_call(
        _body,
        grid=(_NBLK,),
        in_specs=[
            pl.BlockSpec((_BN, _ZD), lambda i: (i, 0)),
            full((1, _M)),
            full((_ZD, _ZD * 4)), full((1, _ZD * 4)),
            full((_ZD * 4, _ZD * 4)), full((1, _ZD * 4)),
            full((_ZD * 4, _ZD * 4)), full((1, _ZD * 4)),
            full((_ZD * 4, _ZD)), full((1, _ZD)),
            full((_ZD * 4, _M)),
            full((1, _M)),
            full((_M, 2)),
        ],
        out_specs=[
            pl.BlockSpec((_BN, _ZD), lambda i: (i, 0)),
            pl.BlockSpec((_BN, _M), lambda i: (i, 0)),
            pl.BlockSpec((_BN, 1), lambda i: (i, 0)),
            full((1, _M)),
        ],
        out_shape=[jax.ShapeDtypeStruct((_N, _ZD), jnp.float32),
                   jax.ShapeDtypeStruct((_N, _M), jnp.float32),
                   jax.ShapeDtypeStruct((_N, 1), jnp.int32),
                   jax.ShapeDtypeStruct((1, _M), jnp.float32)],
        interpret=interpret,
    )(x, prior_elem.reshape(1, _M),
      w1, b1.reshape(1, -1), w2, b2.reshape(1, -1),
      w3, b3.reshape(1, -1), w4, b4.reshape(1, -1),
      g, c, msplit)

    zi1d = zi.reshape(_N)
    sc = pl.kernel(
        _sc_update,
        out_type=jax.ShapeDtypeStruct((_M, _ZD), jnp.float32),
        mesh=plsc.VectorSubcoreMesh(core_axis_name="c", subcore_axis_name="s"),
        scratch_types=[
            pltpu.VMEM((128,), jnp.int32),
            pltpu.VMEM((_CHUNK, _ZD), jnp.float32),
            pltpu.VMEM((_MROWS, _ZD), jnp.float32),
            pltpu.VMEM((_MROWS, _ZD), jnp.float32),
            pltpu.VMEM((_MROWS, _ZD), jnp.float32),
            pltpu.VMEM_SHARED((_M, _ZD), jnp.float32),
        ],
    )
    ps_new = sc(zi1d, zflat, prior_sum,
                jnp.zeros((_M, _ZD), jnp.float32))

    z_out = jnp.transpose(zflat.reshape(_B, _H, _W, _ZD), (0, 3, 1, 2))
    return (e, z_out, belong, ps_new, pe_new.reshape(_M))

# --- scband reference (transcript-rebuilt; emitter-appended) ---
"""Pipeline reference for scband-prior-19018115187058 (READ-ONLY COPY).

The authoritative reference and input builder live on the scoring server;
editing this copy changes nothing except your own understanding.
"""

import jax, jax.numpy as jnp
import numpy as np

B, ZD, H, W = 32, 64, 32, 32
M = 1024
MU = 0.99

def _conv1x1(x, w, b):
    # x: [B, Cin, H, W], w: [Cout, Cin], b: [Cout] -- 1x1 Conv2d
    return jnp.einsum('bchw,dc->bdhw', x, w) + b[None, :, None, None]

def setup_inputs(seed: int = 0) -> dict:
    key = jax.random.key(seed)
    ks = jax.random.split(key, 12)
    z = jax.random.normal(ks[0], (B, ZD, H, W), dtype=jnp.float32)
    prior_sum = jax.random.uniform(ks[1], (M, ZD), dtype=jnp.float32, minval=-1.0, maxval=1.0)
    prior_elem = jnp.ones((M,), dtype=jnp.float32)
    W1 = jax.random.normal(ks[2], (ZD * 4, ZD), dtype=jnp.float32) * 0.02
    b1 = jnp.zeros((ZD * 4,), dtype=jnp.float32)
    W2 = jax.random.normal(ks[3], (ZD * 4, ZD * 4), dtype=jnp.float32) * 0.02
    b2 = jnp.zeros((ZD * 4,), dtype=jnp.float32)
    W3 = jax.random.normal(ks[4], (ZD * 4, ZD * 4), dtype=jnp.float32) * 0.02
    b3 = jnp.zeros((ZD * 4,), dtype=jnp.float32)
    W4 = jax.random.normal(ks[5], (ZD, ZD * 4), dtype=jnp.float32) * 0.02
    b4 = jnp.zeros((ZD,), dtype=jnp.float32)
    return {"z": z, "prior_sum": prior_sum, "prior_elem": prior_elem,
            "W1": W1, "b1": b1, "W2": W2, "b2": b2, "W3": W3, "b3": b3, "W4": W4, "b4": b4}

def reference(z, prior_sum, prior_elem, W1, b1, W2, b2, W3, b3, W4, b4):
    # sample(): current centroids e = prior_sum / prior_elem
    e = prior_sum / prior_elem[:, None]
    # nonlinear: 1x1 conv -> tanh -> 1x1 conv -> tanh -> 1x1 conv -> tanh -> 1x1 conv
    h = jnp.tanh(_conv1x1(z, W1, b1))
    h = jnp.tanh(_conv1x1(h, W2, b2))
    h = jnp.tanh(_conv1x1(h, W3, b3))
    z_out = _conv1x1(h, W4, b4)
    # quantize: ze [N, z_dim], nearest centroid by squared L2 distance
    ze = jnp.transpose(z_out, (0, 2, 3, 1)).reshape(-1, ZD)
    distance = (ze ** 2).sum(axis=1, keepdims=True) - 2.0 * ze @ e.T + (e.T ** 2).sum(axis=0, keepdims=True)
    zi = jnp.argmin(distance, axis=1)
    # update (EMA codebook stats, no grad)
    zi_onehot = jax.nn.one_hot(zi, M, dtype=jnp.float32)
    prior_sum_current = zi_onehot.T @ ze
    prior_elem_current = zi_onehot.sum(axis=0)
    prior_sum_new = MU * prior_sum + (1.0 - MU) * prior_sum_current
    prior_elem_new = MU * prior_elem + (1.0 - MU) * prior_elem_current
    belong = zi_onehot
    return (e, z_out, belong, prior_sum_new, prior_elem_new)

if __name__ == "__main__":
    import jax
    _d = setup_inputs()
    print(jax.jit(kernel)(*tuple(_d.values())))

</pallas_src>

<mosaic_0001>
#map = affine_map<(d0, d1) -> (0)>
#map1 = affine_map<(d0, d1) -> (0, 0)>
module attributes {stable_mosaic.version = 14 : i64} {
  func.func @_sc_update(%arg0: i32, %arg1: i32, %arg2: memref<32768xi32, #tpu.memory_space<hbm>>, %arg3: memref<32768x64xf32, #tpu.memory_space<hbm>>, %arg4: memref<1024x64xf32, #tpu.memory_space<hbm>>, %arg5: memref<1024x64xf32, #tpu.memory_space<hbm>>, %arg6: memref<1024x64xf32, #tpu.memory_space<hbm>>, %arg7: memref<128xi32, #tpu.memory_space<vmem>>, %arg8: memref<512x64xf32, #tpu.memory_space<vmem>>, %arg9: memref<64x64xf32, #tpu.memory_space<vmem>>, %arg10: memref<64x64xf32, #tpu.memory_space<vmem>>, %arg11: memref<64x64xf32, #tpu.memory_space<vmem>>, %arg12: memref<1024x64xf32, #tpu.memory_space<vmem_shared>>) attributes {dimension_semantics = [#tpu.dimension_semantics<core_parallel>, #tpu.dimension_semantics<subcore_parallel>], iteration_bounds = array<i64: 2, 16>, scalar_prefetch = 0 : i64, scratch_operands = 6 : i64, tpu.core_type = #tpu.core_type<sc_vector_subcore>, window_params = [{transform_indices = #map}, {transform_indices = #map1}, {transform_indices = #map1}, {transform_indices = #map1}, {transform_indices = #map1}]} {
    %eq3A = arith.constant 0 : i32
    %eq3A_0 = arith.cmpi eq, %arg0, %eq3A : i32
    %eq3A_1 = arith.constant 0 : i32
    %eq3A_2 = arith.cmpi eq, %arg1, %eq3A_1 : i32
    %and3A = arith.andi %eq3A_0, %eq3A_2 : i1
    %convert_element_type3A = arith.extui %and3A : i1 to i32
    %cond3A = arith.constant 0 : i32
    %cond3A_3 = arith.cmpi ne, %convert_element_type3A, %cond3A : i32
    scf.if %cond3A_3 {
      "tpu.region"() ({
        %run_scoped3A = tpu.sem_alloc : memref<!tpu.dma_semaphore, #tpu.memory_space<semaphore_mem>>
        tpu.enqueue_dma source(%arg5 : memref<1024x64xf32, #tpu.memory_space<hbm>>) target(%arg12 : memref<1024x64xf32, #tpu.memory_space<vmem_shared>>) target_semaphore(%run_scoped3A : memref<!tpu.dma_semaphore, #tpu.memory_space<semaphore_mem>>)
        tpu.wait_dma2 semaphore(%run_scoped3A : memref<!tpu.dma_semaphore, #tpu.memory_space<semaphore_mem>>) src(%arg5 : memref<1024x64xf32, #tpu.memory_space<hbm>>) dst(%arg12 : memref<1024x64xf32, #tpu.memory_space<vmem_shared>>)
        tpu.yield
      }) : () -> ()
    } else {
    }
    %barrier3A = arith.constant 0 : index
    tpu.barrier barrier_id(%barrier3A)
    %eq3A_4 = arith.constant 0 : i32
    %eq3A_5 = arith.cmpi eq, %arg0, %eq3A_4 : i32
    %convert_element_type3A_6 = arith.extui %eq3A_5 : i1 to i32
    %cond3A_7 = arith.constant 0 : i32
    %cond3A_8 = arith.cmpi ne, %convert_element_type3A_6, %cond3A_7 : i32
    scf.if %cond3A_8 {
      %mul3A = arith.constant 2048 : i32
      %mul3A_15 = arith.muli %arg1, %mul3A : i32
      %add3A = arith.constant 0 : i32
      %add3A_16 = arith.addi %mul3A_15, %add3A : i32
      %multiple_of3A = tpu.assume_multiple %add3A_16, 512 : i32
      "tpu.region"() ({
        %run_scoped3A = tpu.sem_alloc : memref<!tpu.dma_semaphore, #tpu.memory_space<semaphore_mem>>
        %dma_start3A = arith.constant 0 : i32
        %dma_start3A_64 = tpu.memref_slice %arg3[%multiple_of3A, %dma_start3A] : memref<32768x64xf32, #tpu.memory_space<hbm>> -> memref<512x64xf32, #tpu.memory_space<hbm>>
        %dma_start3A_65 = arith.constant 0 : i32
        %dma_start3A_66 = tpu.memref_slice %arg3[%multiple_of3A, %dma_start3A_65] : memref<32768x64xf32, #tpu.memory_space<hbm>> -> memref<512x64xf32, #tpu.memory_space<hbm>>
        tpu.enqueue_dma source(%dma_start3A_66 : memref<512x64xf32, #tpu.memory_space<hbm>>) target(%arg8 : memref<512x64xf32, #tpu.memory_space<vmem>>) target_semaphore(%run_scoped3A : memref<!tpu.dma_semaphore, #tpu.memory_space<semaphore_mem>>)
        %dma_wait3A = arith.constant 0 : i32
        %dma_wait3A_67 = tpu.memref_slice %arg3[%multiple_of3A, %dma_wait3A] : memref<32768x64xf32, #tpu.memory_space<hbm>> -> memref<512x64xf32, #tpu.memory_space<hbm>>
        %dma_wait3A_68 = arith.constant 0 : i32
        %dma_wait3A_69 = tpu.memref_slice %arg3[%multiple_of3A, %dma_wait3A_68] : memref<32768x64xf32, #tpu.memory_space<hbm>> -> memref<512x64xf32, #tpu.memory_space<hbm>>
        tpu.wait_dma2 semaphore(%run_scoped3A : memref<!tpu.dma_semaphore, #tpu.memory_space<semaphore_mem>>) src(%dma_wait3A_69 : memref<512x64xf32, #tpu.memory_space<hbm>>) dst(%arg8 : memref<512x64xf32, #tpu.memory_space<vmem>>)
        tpu.yield
      }) : () -> ()
      %add3A_17 = arith.constant 0 : i32
      %add3A_18 = arith.addi %multiple_of3A, %add3A_17 : i32
      "tpu.region"() ({
        %run_scoped3A = tpu.sem_alloc : memref<!tpu.dma_semaphore, #tpu.memory_space<semaphore_mem>>
        %dma_start3A = tpu.memref_slice %arg2[%add3A_18] : memref<32768xi32, #tpu.memory_space<hbm>> -> memref<128xi32, #tpu.memory_space<hbm>>
        %dma_start3A_64 = tpu.memref_slice %arg2[%add3A_18] : memref<32768xi32, #tpu.memory_space<hbm>> -> memref<128xi32, #tpu.memory_space<hbm>>
        tpu.enqueue_dma source(%dma_start3A_64 : memref<128xi32, #tpu.memory_space<hbm>>) target(%arg7 : memref<128xi32, #tpu.memory_space<vmem>>) target_semaphore(%run_scoped3A : memref<!tpu.dma_semaphore, #tpu.memory_space<semaphore_mem>>)
        %dma_wait3A = tpu.memref_slice %arg2[%add3A_18] : memref<32768xi32, #tpu.memory_space<hbm>> -> memref<128xi32, #tpu.memory_space<hbm>>
        %dma_wait3A_65 = tpu.memref_slice %arg2[%add3A_18] : memref<32768xi32, #tpu.memory_space<hbm>> -> memref<128xi32, #tpu.memory_space<hbm>>
        tpu.wait_dma2 semaphore(%run_scoped3A : memref<!tpu.dma_semaphore, #tpu.memory_space<semaphore_mem>>) src(%dma_wait3A_65 : memref<128xi32, #tpu.memory_space<hbm>>) dst(%arg7 : memref<128xi32, #tpu.memory_space<vmem>>)
        tpu.yield
      }) : () -> ()
      "tpu.region"() ({
        %run_scoped3A = tpu.sem_alloc : memref<!tpu.dma_semaphore, #tpu.memory_space<semaphore_mem>>
        %dma_start3A = arith.constant 0 : i32
        %dma_start3A_64 = arith.constant 0 : i32
        %dma_start3A_65 = tpu.memref_slice %arg8[%dma_start3A, %dma_start3A_64] : memref<512x64xf32, #tpu.memory_space<vmem>> -> memref<128x64xf32, #tpu.memory_space<vmem>>
        %dma_start3A_66 = arith.constant 0 : i32
        %dma_start3A_67 = arith.constant 0 : i32
        %dma_start3A_68 = tpu.memref_slice %arg12[%dma_start3A_66, %dma_start3A_67] : memref<1024x64xf32, #tpu.memory_space<vmem_shared>> -> memref<1024x64xf32, #tpu.memory_space<vmem_shared>>
        tpu.enqueue_indirect_dma source(%dma_start3A_65 : memref<128x64xf32, #tpu.memory_space<vmem>>) target(%dma_start3A_68 : memref<1024x64xf32, #tpu.memory_space<vmem_shared>>) offsets(%arg7 : memref<128xi32, #tpu.memory_space<vmem>>) semaphore(%run_scoped3A : memref<!tpu.dma_semaphore, #tpu.memory_space<semaphore_mem>>) {add = true}
        %dma_wait3A = arith.constant 0 : i32
        %dma_wait3A_69 = arith.constant 0 : i32
        %dma_wait3A_70 = tpu.memref_slice %arg8[%dma_wait3A, %dma_wait3A_69] : memref<512x64xf32, #tpu.memory_space<vmem>> -> memref<128x64xf32, #tpu.memory_space<vmem>>
        %dma_wait3A_71 = arith.constant 0 : i32
        %dma_wait3A_72 = arith.constant 0 : i32
        %dma_wait3A_73 = tpu.memref_slice %arg12[%dma_wait3A_71, %dma_wait3A_72] : memref<1024x64xf32, #tpu.memory_space<vmem_shared>> -> memref<1024x64xf32, #tpu.memory_space<vmem_shared>>
        tpu.wait_indirect_dma semaphore(%run_scoped3A : memref<!tpu.dma_semaphore, #tpu.memory_space<semaphore_mem>>) src(%dma_wait3A_70 : memref<128x64xf32, #tpu.memory_space<vmem>>) dst(%dma_wait3A_73 : memref<1024x64xf32, #tpu.memory_space<vmem_shared>>)
        tpu.yield
      }) : () -> ()
      %add3A_19 = arith.constant 128 : i32
      %add3A_20 = arith.addi %multiple_of3A, %add3A_19 : i32
      "tpu.region"() ({
        %run_scoped3A = tpu.sem_alloc : memref<!tpu.dma_semaphore, #tpu.memory_space<semaphore_mem>>
        %dma_start3A = tpu.memref_slice %arg2[%add3A_20] : memref<32768xi32, #tpu.memory_space<hbm>> -> memref<128xi32, #tpu.memory_space<hbm>>
        %dma_start3A_64 = tpu.memref_slice %arg2[%add3A_20] : memref<32768xi32, #tpu.memory_space<hbm>> -> memref<128xi32, #tpu.memory_space<hbm>>
        tpu.enqueue_dma source(%dma_start3A_64 : memref<128xi32, #tpu.memory_space<hbm>>) target(%arg7 : memref<128xi32, #tpu.memory_space<vmem>>) target_semaphore(%run_scoped3A : memref<!tpu.dma_semaphore, #tpu.memory_space<semaphore_mem>>)
        %dma_wait3A = tpu.memref_slice %arg2[%add3A_20] : memref<32768xi32, #tpu.memory_space<hbm>> -> memref<128xi32, #tpu.memory_space<hbm>>
        %dma_wait3A_65 = tpu.memref_slice %arg2[%add3A_20] : memref<32768xi32, #tpu.memory_space<hbm>> -> memref<128xi32, #tpu.memory_space<hbm>>
        tpu.wait_dma2 semaphore(%run_scoped3A : memref<!tpu.dma_semaphore, #tpu.memory_space<semaphore_mem>>) src(%dma_wait3A_65 : memref<128xi32, #tpu.memory_space<hbm>>) dst(%arg7 : memref<128xi32, #tpu.memory_space<vmem>>)
        tpu.yield
      }) : () -> ()
      "tpu.region"() ({
        %run_scoped3A = tpu.sem_alloc : memref<!tpu.dma_semaphore, #tpu.memory_space<semaphore_mem>>
        %dma_start3A = arith.constant 128 : i32
        %dma_start3A_64 = arith.constant 0 : i32
        %dma_start3A_65 = tpu.memref_slice %arg8[%dma_start3A, %dma_start3A_64] : memref<512x64xf32, #tpu.memory_space<vmem>> -> memref<128x64xf32, #tpu.memory_space<vmem>>
        %dma_start3A_66 = arith.constant 0 : i32
        %dma_start3A_67 = arith.constant 0 : i32
        %dma_start3A_68 = tpu.memref_slice %arg12[%dma_start3A_66, %dma_start3A_67] : memref<1024x64xf32, #tpu.memory_space<vmem_shared>> -> memref<1024x64xf32, #tpu.memory_space<vmem_shared>>
        tpu.enqueue_indirect_dma source(%dma_start3A_65 : memref<128x64xf32, #tpu.memory_space<vmem>>) target(%dma_start3A_68 : memref<1024x64xf32, #tpu.memory_space<vmem_shared>>) offsets(%arg7 : memref<128xi32, #tpu.memory_space<vmem>>) semaphore(%run_scoped3A : memref<!tpu.dma_semaphore, #tpu.memory_space<semaphore_mem>>) {add = true}
        %dma_wait3A = arith.constant 128 : i32
        %dma_wait3A_69 = arith.constant 0 : i32
        %dma_wait3A_70 = tpu.memref_slice %arg8[%dma_wait3A, %dma_wait3A_69] : memref<512x64xf32, #tpu.memory_space<vmem>> -> memref<128x64xf32, #tpu.memory_space<vmem>>
        %dma_wait3A_71 = arith.constant 0 : i32
        %dma_wait3A_72 = arith.constant 0 : i32
        %dma_wait3A_73 = tpu.memref_slice %arg12[%dma_wait3A_71, %dma_wait3A_72] : memref<1024x64xf32, #tpu.memory_space<vmem_shared>> -> memref<1024x64xf32, #tpu.memory_space<vmem_shared>>
        tpu.wait_indirect_dma semaphore(%run_scoped3A : memref<!tpu.dma_semaphore, #tpu.memory_space<semaphore_mem>>) src(%dma_wait3A_70 : memref<128x64xf32, #tpu.memory_space<vmem>>) dst(%dma_wait3A_73 : memref<1024x64xf32, #tpu.memory_space<vmem_shared>>)
        tpu.yield
      }) : () -> ()
      %add3A_21 = arith.constant 256 : i32
      %add3A_22 = arith.addi %multiple_of3A, %add3A_21 : i32
      "tpu.region"() ({
        %run_scoped3A = tpu.sem_alloc : memref<!tpu.dma_semaphore, #tpu.memory_space<semaphore_mem>>
        %dma_start3A = tpu.memref_slice %arg2[%add3A_22] : memref<32768xi32, #tpu.memory_space<hbm>> -> memref<128xi32, #tpu.memory_space<hbm>>
        %dma_start3A_64 = tpu.memref_slice %arg2[%add3A_22] : memref<32768xi32, #tpu.memory_space<hbm>> -> memref<128xi32, #tpu.memory_space<hbm>>
        tpu.enqueue_dma source(%dma_start3A_64 : memref<128xi32, #tpu.memory_space<hbm>>) target(%arg7 : memref<128xi32, #tpu.memory_space<vmem>>) target_semaphore(%run_scoped3A : memref<!tpu.dma_semaphore, #tpu.memory_space<semaphore_mem>>)
        %dma_wait3A = tpu.memref_slice %arg2[%add3A_22] : memref<32768xi32, #tpu.memory_space<hbm>> -> memref<128xi32, #tpu.memory_space<hbm>>
        %dma_wait3A_65 = tpu.memref_slice %arg2[%add3A_22] : memref<32768xi32, #tpu.memory_space<hbm>> -> memref<128xi32, #tpu.memory_space<hbm>>
        tpu.wait_dma2 semaphore(%run_scoped3A : memref<!tpu.dma_semaphore, #tpu.memory_space<semaphore_mem>>) src(%dma_wait3A_65 : memref<128xi32, #tpu.memory_space<hbm>>) dst(%arg7 : memref<128xi32, #tpu.memory_space<vmem>>)
        tpu.yield
      }) : () -> ()
      "tpu.region"() ({
        %run_scoped3A = tpu.sem_alloc : memref<!tpu.dma_semaphore, #tpu.memory_space<semaphore_mem>>
        %dma_start3A = arith.constant 256 : i32
        %dma_start3A_64 = arith.constant 0 : i32
        %dma_start3A_65 = tpu.memref_slice %arg8[%dma_start3A, %dma_start3A_64] : memref<512x64xf32, #tpu.memory_space<vmem>> -> memref<128x64xf32, #tpu.memory_space<vmem>>
        %dma_start3A_66 = arith.constant 0 : i32
        %dma_start3A_67 = arith.constant 0 : i32
        %dma_start3A_68 = tpu.memref_slice %arg12[%dma_start3A_66, %dma_start3A_67] : memref<1024x64xf32, #tpu.memory_space<vmem_shared>> -> memref<1024x64xf32, #tpu.memory_space<vmem_shared>>
        tpu.enqueue_indirect_dma source(%dma_start3A_65 : memref<128x64xf32, #tpu.memory_space<vmem>>) target(%dma_start3A_68 : memref<1024x64xf32, #tpu.memory_space<vmem_shared>>) offsets(%arg7 : memref<128xi32, #tpu.memory_space<vmem>>) semaphore(%run_scoped3A : memref<!tpu.dma_semaphore, #tpu.memory_space<semaphore_mem>>) {add = true}
        %dma_wait3A = arith.constant 256 : i32
        %dma_wait3A_69 = arith.constant 0 : i32
        %dma_wait3A_70 = tpu.memref_slice %arg8[%dma_wait3A, %dma_wait3A_69] : memref<512x64xf32, #tpu.memory_space<vmem>> -> memref<128x64xf32, #tpu.memory_space<vmem>>
        %dma_wait3A_71 = arith.constant 0 : i32
        %dma_wait3A_72 = arith.constant 0 : i32
        %dma_wait3A_73 = tpu.memref_slice %arg12[%dma_wait3A_71, %dma_wait3A_72] : memref<1024x64xf32, #tpu.memory_space<vmem_shared>> -> memref<1024x64xf32, #tpu.memory_space<vmem_shared>>
        tpu.wait_indirect_dma semaphore(%run_scoped3A : memref<!tpu.dma_semaphore, #tpu.memory_space<semaphore_mem>>) src(%dma_wait3A_70 : memref<128x64xf32, #tpu.memory_space<vmem>>) dst(%dma_wait3A_73 : memref<1024x64xf32, #tpu.memory_space<vmem_shared>>)
        tpu.yield
      }) : () -> ()
      %add3A_23 = arith.constant 384 : i32
      %add3A_24 = arith.addi %multiple_of3A, %add3A_23 : i32
      "tpu.region"() ({
        %run_scoped3A = tpu.sem_alloc : memref<!tpu.dma_semaphore, #tpu.memory_space<semaphore_mem>>
        %dma_start3A = tpu.memref_slice %arg2[%add3A_24] : memref<32768xi32, #tpu.memory_space<hbm>> -> memref<128xi32, #tpu.memory_space<hbm>>
        %dma_start3A_64 = tpu.memref_slice %arg2[%add3A_24] : memref<32768xi32, #tpu.memory_space<hbm>> -> memref<128xi32, #tpu.memory_space<hbm>>
        tpu.enqueue_dma source(%dma_start3A_64 : memref<128xi32, #tpu.memory_space<hbm>>) target(%arg7 : memref<128xi32, #tpu.memory_space<vmem>>) target_semaphore(%run_scoped3A : memref<!tpu.dma_semaphore, #tpu.memory_space<semaphore_mem>>)
        %dma_wait3A = tpu.memref_slice %arg2[%add3A_24] : memref<32768xi32, #tpu.memory_space<hbm>> -> memref<128xi32, #tpu.memory_space<hbm>>
        %dma_wait3A_65 = tpu.memref_slice %arg2[%add3A_24] : memref<32768xi32, #tpu.memory_space<hbm>> -> memref<128xi32, #tpu.memory_space<hbm>>
        tpu.wait_dma2 semaphore(%run_scoped3A : memref<!tpu.dma_semaphore, #tpu.memory_space<semaphore_mem>>) src(%dma_wait3A_65 : memref<128xi32, #tpu.memory_space<hbm>>) dst(%arg7 : memref<128xi32, #tpu.memory_space<vmem>>)
        tpu.yield
      }) : () -> ()
      "tpu.region"() ({
        %run_scoped3A = tpu.sem_alloc : memref<!tpu.dma_semaphore, #tpu.memory_space<semaphore_mem>>
        %dma_start3A = arith.constant 384 : i32
        %dma_start3A_64 = arith.constant 0 : i32
        %dma_start3A_65 = tpu.memref_slice %arg8[%dma_start3A, %dma_start3A_64] : memref<512x64xf32, #tpu.memory_space<vmem>> -> memref<128x64xf32, #tpu.memory_space<vmem>>
        %dma_start3A_66 = arith.constant 0 : i32
        %dma_start3A_67 = arith.constant 0 : i32
        %dma_start3A_68 = tpu.memref_slice %arg12[%dma_start3A_66, %dma_start3A_67] : memref<1024x64xf32, #tpu.memory_space<vmem_shared>> -> memref<1024x64xf32, #tpu.memory_space<vmem_shared>>
        tpu.enqueue_indirect_dma source(%dma_start3A_65 : memref<128x64xf32, #tpu.memory_space<vmem>>) target(%dma_start3A_68 : memref<1024x64xf32, #tpu.memory_space<vmem_shared>>) offsets(%arg7 : memref<128xi32, #tpu.memory_space<vmem>>) semaphore(%run_scoped3A : memref<!tpu.dma_semaphore, #tpu.memory_space<semaphore_mem>>) {add = true}
        %dma_wait3A = arith.constant 384 : i32
        %dma_wait3A_69 = arith.constant 0 : i32
        %dma_wait3A_70 = tpu.memref_slice %arg8[%dma_wait3A, %dma_wait3A_69] : memref<512x64xf32, #tpu.memory_space<vmem>> -> memref<128x64xf32, #tpu.memory_space<vmem>>
        %dma_wait3A_71 = arith.constant 0 : i32
        %dma_wait3A_72 = arith.constant 0 : i32
        %dma_wait3A_73 = tpu.memref_slice %arg12[%dma_wait3A_71, %dma_wait3A_72] : memref<1024x64xf32, #tpu.memory_space<vmem_shared>> -> memref<1024x64xf32, #tpu.memory_space<vmem_shared>>
        tpu.wait_indirect_dma semaphore(%run_scoped3A : memref<!tpu.dma_semaphore, #tpu.memory_space<semaphore_mem>>) src(%dma_wait3A_70 : memref<128x64xf32, #tpu.memory_space<vmem>>) dst(%dma_wait3A_73 : memref<1024x64xf32, #tpu.memory_space<vmem_shared>>)
        tpu.yield
      }) : () -> ()
      %mul3A_25 = arith.constant 2048 : i32
      %mul3A_26 = arith.muli %arg1, %mul3A_25 : i32
      %add3A_27 = arith.constant 512 : i32
      %add3A_28 = arith.addi %mul3A_26, %add3A_27 : i32
      %multiple_of3A_29 = tpu.assume_multiple %add3A_28, 512 : i32
      "tpu.region"() ({
        %run_scoped3A = tpu.sem_alloc : memref<!tpu.dma_semaphore, #tpu.memory_space<semaphore_mem>>
        %dma_start3A = arith.constant 0 : i32
        %dma_start3A_64 = tpu.memref_slice %arg3[%multiple_of3A_29, %dma_start3A] : memref<32768x64xf32, #tpu.memory_space<hbm>> -> memref<512x64xf32, #tpu.memory_space<hbm>>
        %dma_start3A_65 = arith.constant 0 : i32
        %dma_start3A_66 = tpu.memref_slice %arg3[%multiple_of3A_29, %dma_start3A_65] : memref<32768x64xf32, #tpu.memory_space<hbm>> -> memref<512x64xf32, #tpu.memory_space<hbm>>
        tpu.enqueue_dma source(%dma_start3A_66 : memref<512x64xf32, #tpu.memory_space<hbm>>) target(%arg8 : memref<512x64xf32, #tpu.memory_space<vmem>>) target_semaphore(%run_scoped3A : memref<!tpu.dma_semaphore, #tpu.memory_space<semaphore_mem>>)
        %dma_wait3A = arith.constant 0 : i32
        %dma_wait3A_67 = tpu.memref_slice %arg3[%multiple_of3A_29, %dma_wait3A] : memref<32768x64xf32, #tpu.memory_space<hbm>> -> memref<512x64xf32, #tpu.memory_space<hbm>>
        %dma_wait3A_68 = arith.constant 0 : i32
        %dma_wait3A_69 = tpu.memref_slice %arg3[%multiple_of3A_29, %dma_wait3A_68] : memref<32768x64xf32, #tpu.memory_space<hbm>> -> memref<512x64xf32, #tpu.memory_space<hbm>>
        tpu.wait_dma2 semaphore(%run_scoped3A : memref<!tpu.dma_semaphore, #tpu.memory_space<semaphore_mem>>) src(%dma_wait3A_69 : memref<512x64xf32, #tpu.memory_space<hbm>>) dst(%arg8 : memref<512x64xf32, #tpu.memory_space<vmem>>)
        tpu.yield
      }) : () -> ()
      %add3A_30 = arith.constant 0 : i32
      %add3A_31 = arith.addi %multiple_of3A_29, %add3A_30 : i32
      "tpu.region"() ({
        %run_scoped3A = tpu.sem_alloc : memref<!tpu.dma_semaphore, #tpu.memory_space<semaphore_mem>>
        %dma_start3A = tpu.memref_slice %arg2[%add3A_31] : memref<32768xi32, #tpu.memory_space<hbm>> -> memref<128xi32, #tpu.memory_space<hbm>>
        %dma_start3A_64 = tpu.memref_slice %arg2[%add3A_31] : memref<32768xi32, #tpu.memory_space<hbm>> -> memref<128xi32, #tpu.memory_space<hbm>>
        tpu.enqueue_dma source(%dma_start3A_64 : memref<128xi32, #tpu.memory_space<hbm>>) target(%arg7 : memref<128xi32, #tpu.memory_space<vmem>>) target_semaphore(%run_scoped3A : memref<!tpu.dma_semaphore, #tpu.memory_space<semaphore_mem>>)
        %dma_wait3A = tpu.memref_slice %arg2[%add3A_31] : memref<32768xi32, #tpu.memory_space<hbm>> -> memref<128xi32, #tpu.memory_space<hbm>>
        %dma_wait3A_65 = tpu.memref_slice %arg2[%add3A_31] : memref<32768xi32, #tpu.memory_space<hbm>> -> memref<128xi32, #tpu.memory_space<hbm>>
        tpu.wait_dma2 semaphore(%run_scoped3A : memref<!tpu.dma_semaphore, #tpu.memory_space<semaphore_mem>>) src(%dma_wait3A_65 : memref<128xi32, #tpu.memory_space<hbm>>) dst(%arg7 : memref<128xi32, #tpu.memory_space<vmem>>)
        tpu.yield
      }) : () -> ()
      "tpu.region"() ({
        %run_scoped3A = tpu.sem_alloc : memref<!tpu.dma_semaphore, #tpu.memory_space<semaphore_mem>>
        %dma_start3A = arith.constant 0 : i32
        %dma_start3A_64 = arith.constant 0 : i32
        %dma_start3A_65 = tpu.memref_slice %arg8[%dma_start3A, %dma_start3A_64] : memref<512x64xf32, #tpu.memory_space<vmem>> -> memref<128x64xf32, #tpu.memory_space<vmem>>
        %dma_start3A_66 = arith.constant 0 : i32
        %dma_start3A_67 = arith.constant 0 : i32
        %dma_start3A_68 = tpu.memref_slice %arg12[%dma_start3A_66, %dma_start3A_67] : memref<1024x64xf32, #tpu.memory_space<vmem_shared>> -> memref<1024x64xf32, #tpu.memory_space<vmem_shared>>
        tpu.enqueue_indirect_dma source(%dma_start3A_65 : memref<128x64xf32, #tpu.memory_space<vmem>>) target(%dma_start3A_68 : memref<1024x64xf32, #tpu.memory_space<vmem_shared>>) offsets(%arg7 : memref<128xi32, #tpu.memory_space<vmem>>) semaphore(%run_scoped3A : memref<!tpu.dma_semaphore, #tpu.memory_space<semaphore_mem>>) {add = true}
        %dma_wait3A = arith.constant 0 : i32
        %dma_wait3A_69 = arith.constant 0 : i32
        %dma_wait3A_70 = tpu.memref_slice %arg8[%dma_wait3A, %dma_wait3A_69] : memref<512x64xf32, #tpu.memory_space<vmem>> -> memref<128x64xf32, #tpu.memory_space<vmem>>
        %dma_wait3A_71 = arith.constant 0 : i32
        %dma_wait3A_72 = arith.constant 0 : i32
        %dma_wait3A_73 = tpu.memref_slice %arg12[%dma_wait3A_71, %dma_wait3A_72] : memref<1024x64xf32, #tpu.memory_space<vmem_shared>> -> memref<1024x64xf32, #tpu.memory_space<vmem_shared>>
        tpu.wait_indirect_dma semaphore(%run_scoped3A : memref<!tpu.dma_semaphore, #tpu.memory_space<semaphore_mem>>) src(%dma_wait3A_70 : memref<128x64xf32, #tpu.memory_space<vmem>>) dst(%dma_wait3A_73 : memref<1024x64xf32, #tpu.memory_space<vmem_shared>>)
        tpu.yield
      }) : () -> ()
      %add3A_32 = arith.constant 128 : i32
      %add3A_33 = arith.addi %multiple_of3A_29, %add3A_32 : i32
      "tpu.region"() ({
        %run_scoped3A = tpu.sem_alloc : memref<!tpu.dma_semaphore, #tpu.memory_space<semaphore_mem>>
        %dma_start3A = tpu.memref_slice %arg2[%add3A_33] : memref<32768xi32, #tpu.memory_space<hbm>> -> memref<128xi32, #tpu.memory_space<hbm>>
        %dma_start3A_64 = tpu.memref_slice %arg2[%add3A_33] : memref<32768xi32, #tpu.memory_space<hbm>> -> memref<128xi32, #tpu.memory_space<hbm>>
        tpu.enqueue_dma source(%dma_start3A_64 : memref<128xi32, #tpu.memory_space<hbm>>) target(%arg7 : memref<128xi32, #tpu.memory_space<vmem>>) target_semaphore(%run_scoped3A : memref<!tpu.dma_semaphore, #tpu.memory_space<semaphore_mem>>)
        %dma_wait3A = tpu.memref_slice %arg2[%add3A_33] : memref<32768xi32, #tpu.memory_space<hbm>> -> memref<128xi32, #tpu.memory_space<hbm>>
        %dma_wait3A_65 = tpu.memref_slice %arg2[%add3A_33] : memref<32768xi32, #tpu.memory_space<hbm>> -> memref<128xi32, #tpu.memory_space<hbm>>
        tpu.wait_dma2 semaphore(%run_scoped3A : memref<!tpu.dma_semaphore, #tpu.memory_space<semaphore_mem>>) src(%dma_wait3A_65 : memref<128xi32, #tpu.memory_space<hbm>>) dst(%arg7 : memref<128xi32, #tpu.memory_space<vmem>>)
        tpu.yield
      }) : () -> ()
      "tpu.region"() ({
        %run_scoped3A = tpu.sem_alloc : memref<!tpu.dma_semaphore, #tpu.memory_space<semaphore_mem>>
        %dma_start3A = arith.constant 128 : i32
        %dma_start3A_64 = arith.constant 0 : i32
        %dma_start3A_65 = tpu.memref_slice %arg8[%dma_start3A, %dma_start3A_64] : memref<512x64xf32, #tpu.memory_space<vmem>> -> memref<128x64xf32, #tpu.memory_space<vmem>>
        %dma_start3A_66 = arith.constant 0 : i32
        %dma_start3A_67 = arith.constant 0 : i32
        %dma_start3A_68 = tpu.memref_slice %arg12[%dma_start3A_66, %dma_start3A_67] : memref<1024x64xf32, #tpu.memory_space<vmem_shared>> -> memref<1024x64xf32, #tpu.memory_space<vmem_shared>>
        tpu.enqueue_indirect_dma source(%dma_start3A_65 : memref<128x64xf32, #tpu.memory_space<vmem>>) target(%dma_start3A_68 : memref<1024x64xf32, #tpu.memory_space<vmem_shared>>) offsets(%arg7 : memref<128xi32, #tpu.memory_space<vmem>>) semaphore(%run_scoped3A : memref<!tpu.dma_semaphore, #tpu.memory_space<semaphore_mem>>) {add = true}
        %dma_wait3A = arith.constant 128 : i32
        %dma_wait3A_69 = arith.constant 0 : i32
        %dma_wait3A_70 = tpu.memref_slice %arg8[%dma_wait3A, %dma_wait3A_69] : memref<512x64xf32, #tpu.memory_space<vmem>> -> memref<128x64xf32, #tpu.memory_space<vmem>>
        %dma_wait3A_71 = arith.constant 0 : i32
        %dma_wait3A_72 = arith.constant 0 : i32
        %dma_wait3A_73 = tpu.memref_slice %arg12[%dma_wait3A_71, %dma_wait3A_72] : memref<1024x64xf32, #tpu.memory_space<vmem_shared>> -> memref<1024x64xf32, #tpu.memory_space<vmem_shared>>
        tpu.wait_indirect_dma semaphore(%run_scoped3A : memref<!tpu.dma_semaphore, #tpu.memory_space<semaphore_mem>>) src(%dma_wait3A_70 : memref<128x64xf32, #tpu.memory_space<vmem>>) dst(%dma_wait3A_73 : memref<1024x64xf32, #tpu.memory_space<vmem_shared>>)
        tpu.yield
      }) : () -> ()
      %add3A_34 = arith.constant 256 : i32
      %add3A_35 = arith.addi %multiple_of3A_29, %add3A_34 : i32
      "tpu.region"() ({
        %run_scoped3A = tpu.sem_alloc : memref<!tpu.dma_semaphore, #tpu.memory_space<semaphore_mem>>
        %dma_start3A = tpu.memref_slice %arg2[%add3A_35] : memref<32768xi32, #tpu.memory_space<hbm>> -> memref<128xi32, #tpu.memory_space<hbm>>
        %dma_start3A_64 = tpu.memref_slice %arg2[%add3A_35] : memref<32768xi32, #tpu.memory_space<hbm>> -> memref<128xi32, #tpu.memory_space<hbm>>
        tpu.enqueue_dma source(%dma_start3A_64 : memref<128xi32, #tpu.memory_space<hbm>>) target(%arg7 : memref<128xi32, #tpu.memory_space<vmem>>) target_semaphore(%run_scoped3A : memref<!tpu.dma_semaphore, #tpu.memory_space<semaphore_mem>>)
        %dma_wait3A = tpu.memref_slice %arg2[%add3A_35] : memref<32768xi32, #tpu.memory_space<hbm>> -> memref<128xi32, #tpu.memory_space<hbm>>
        %dma_wait3A_65 = tpu.memref_slice %arg2[%add3A_35] : memref<32768xi32, #tpu.memory_space<hbm>> -> memref<128xi32, #tpu.memory_space<hbm>>
        tpu.wait_dma2 semaphore(%run_scoped3A : memref<!tpu.dma_semaphore, #tpu.memory_space<semaphore_mem>>) src(%dma_wait3A_65 : memref<128xi32, #tpu.memory_space<hbm>>) dst(%arg7 : memref<128xi32, #tpu.memory_space<vmem>>)
        tpu.yield
      }) : () -> ()
      "tpu.region"() ({
        %run_scoped3A = tpu.sem_alloc : memref<!tpu.dma_semaphore, #tpu.memory_space<semaphore_mem>>
        %dma_start3A = arith.constant 256 : i32
        %dma_start3A_64 = arith.constant 0 : i32
        %dma_start3A_65 = tpu.memref_slice %arg8[%dma_start3A, %dma_start3A_64] : memref<512x64xf32, #tpu.memory_space<vmem>> -> memref<128x64xf32, #tpu.memory_space<vmem>>
        %dma_start3A_66 = arith.constant 0 : i32
        %dma_start3A_67 = arith.constant 0 : i32
        %dma_start3A_68 = tpu.memref_slice %arg12[%dma_start3A_66, %dma_start3A_67] : memref<1024x64xf32, #tpu.memory_space<vmem_shared>> -> memref<1024x64xf32, #tpu.memory_space<vmem_shared>>
        tpu.enqueue_indirect_dma source(%dma_start3A_65 : memref<128x64xf32, #tpu.memory_space<vmem>>) target(%dma_start3A_68 : memref<1024x64xf32, #tpu.memory_space<vmem_shared>>) offsets(%arg7 : memref<128xi32, #tpu.memory_space<vmem>>) semaphore(%run_scoped3A : memref<!tpu.dma_semaphore, #tpu.memory_space<semaphore_mem>>) {add = true}
        %dma_wait3A = arith.constant 256 : i32
        %dma_wait3A_69 = arith.constant 0 : i32
        %dma_wait3A_70 = tpu.memref_slice %arg8[%dma_wait3A, %dma_wait3A_69] : memref<512x64xf32, #tpu.memory_space<vmem>> -> memref<128x64xf32, #tpu.memory_space<vmem>>
        %dma_wait3A_71 = arith.constant 0 : i32
        %dma_wait3A_72 = arith.constant 0 : i32
        %dma_wait3A_73 = tpu.memref_slice %arg12[%dma_wait3A_71, %dma_wait3A_72] : memref<1024x64xf32, #tpu.memory_space<vmem_shared>> -> memref<1024x64xf32, #tpu.memory_space<vmem_shared>>
        tpu.wait_indirect_dma semaphore(%run_scoped3A : memref<!tpu.dma_semaphore, #tpu.memory_space<semaphore_mem>>) src(%dma_wait3A_70 : memref<128x64xf32, #tpu.memory_space<vmem>>) dst(%dma_wait3A_73 : memref<1024x64xf32, #tpu.memory_space<vmem_shared>>)
        tpu.yield
      }) : () -> ()
      %add3A_36 = arith.constant 384 : i32
      %add3A_37 = arith.addi %multiple_of3A_29, %add3A_36 : i32
      "tpu.region"() ({
        %run_scoped3A = tpu.sem_alloc : memref<!tpu.dma_semaphore, #tpu.memory_space<semaphore_mem>>
        %dma_start3A = tpu.memref_slice %arg2[%add3A_37] : memref<32768xi32, #tpu.memory_space<hbm>> -> memref<128xi32, #tpu.memory_space<hbm>>
        %dma_start3A_64 = tpu.memref_slice %arg2[%add3A_37] : memref<32768xi32, #tpu.memory_space<hbm>> -> memref<128xi32, #tpu.memory_space<hbm>>
        tpu.enqueue_dma source(%dma_start3A_64 : memref<128xi32, #tpu.memory_space<hbm>>) target(%arg7 : memref<128xi32, #tpu.memory_space<vmem>>) target_semaphore(%run_scoped3A : memref<!tpu.dma_semaphore, #tpu.memory_space<semaphore_mem>>)
        %dma_wait3A = tpu.memref_slice %arg2[%add3A_37] : memref<32768xi32, #tpu.memory_space<hbm>> -> memref<128xi32, #tpu.memory_space<hbm>>
        %dma_wait3A_65 = tpu.memref_slice %arg2[%add3A_37] : memref<32768xi32, #tpu.memory_space<hbm>> -> memref<128xi32, #tpu.memory_space<hbm>>
        tpu.wait_dma2 semaphore(%run_scoped3A : memref<!tpu.dma_semaphore, #tpu.memory_space<semaphore_mem>>) src(%dma_wait3A_65 : memref<128xi32, #tpu.memory_space<hbm>>) dst(%arg7 : memref<128xi32, #tpu.memory_space<vmem>>)
        tpu.yield
      }) : () -> ()
      "tpu.region"() ({
        %run_scoped3A = tpu.sem_alloc : memref<!tpu.dma_semaphore, #tpu.memory_space<semaphore_mem>>
        %dma_start3A = arith.constant 384 : i32
        %dma_start3A_64 = arith.constant 0 : i32
        %dma_start3A_65 = tpu.memref_slice %arg8[%dma_start3A, %dma_start3A_64] : memref<512x64xf32, #tpu.memory_space<vmem>> -> memref<128x64xf32, #tpu.memory_space<vmem>>
        %dma_start3A_66 = arith.constant 0 : i32
        %dma_start3A_67 = arith.constant 0 : i32
        %dma_start3A_68 = tpu.memref_slice %arg12[%dma_start3A_66, %dma_start3A_67] : memref<1024x64xf32, #tpu.memory_space<vmem_shared>> -> memref<1024x64xf32, #tpu.memory_space<vmem_shared>>
        tpu.enqueue_indirect_dma source(%dma_start3A_65 : memref<128x64xf32, #tpu.memory_space<vmem>>) target(%dma_start3A_68 : memref<1024x64xf32, #tpu.memory_space<vmem_shared>>) offsets(%arg7 : memref<128xi32, #tpu.memory_space<vmem>>) semaphore(%run_scoped3A : memref<!tpu.dma_semaphore, #tpu.memory_space<semaphore_mem>>) {add = true}
        %dma_wait3A = arith.constant 384 : i32
        %dma_wait3A_69 = arith.constant 0 : i32
        %dma_wait3A_70 = tpu.memref_slice %arg8[%dma_wait3A, %dma_wait3A_69] : memref<512x64xf32, #tpu.memory_space<vmem>> -> memref<128x64xf32, #tpu.memory_space<vmem>>
        %dma_wait3A_71 = arith.constant 0 : i32
        %dma_wait3A_72 = arith.constant 0 : i32
        %dma_wait3A_73 = tpu.memref_slice %arg12[%dma_wait3A_71, %dma_wait3A_72] : memref<1024x64xf32, #tpu.memory_space<vmem_shared>> -> memref<1024x64xf32, #tpu.memory_space<vmem_shared>>
        tpu.wait_indirect_dma semaphore(%run_scoped3A : memref<!tpu.dma_semaphore, #tpu.memory_space<semaphore_mem>>) src(%dma_wait3A_70 : memref<128x64xf32, #tpu.memory_space<vmem>>) dst(%dma_wait3A_73 : memref<1024x64xf32, #tpu.memory_space<vmem_shared>>)
        tpu.yield
      }) : () -> ()
      %mul3A_38 = arith.constant 2048 : i32
      %mul3A_39 = arith.muli %arg1, %mul3A_38 : i32
      %add3A_40 = arith.constant 1024 : i32
      %add3A_41 = arith.addi %mul3A_39, %add3A_40 : i32
      %multiple_of3A_42 = tpu.assume_multiple %add3A_41, 512 : i32
      "tpu.region"() ({
        %run_scoped3A = tpu.sem_alloc : memref<!tpu.dma_semaphore, #tpu.memory_space<semaphore_mem>>
        %dma_start3A = arith.constant 0 : i32
        %dma_start3A_64 = tpu.memref_slice %arg3[%multiple_of3A_42, %dma_start3A] : memref<32768x64xf32, #tpu.memory_space<hbm>> -> memref<512x64xf32, #tpu.memory_space<hbm>>
        %dma_start3A_65 = arith.constant 0 : i32
        %dma_start3A_66 = tpu.memref_slice %arg3[%multiple_of3A_42, %dma_start3A_65] : memref<32768x64xf32, #tpu.memory_space<hbm>> -> memref<512x64xf32, #tpu.memory_space<hbm>>
        tpu.enqueue_dma source(%dma_start3A_66 : memref<512x64xf32, #tpu.memory_space<hbm>>) target(%arg8 : memref<512x64xf32, #tpu.memory_space<vmem>>) target_semaphore(%run_scoped3A : memref<!tpu.dma_semaphore, #tpu.memory_space<semaphore_mem>>)
        %dma_wait3A = arith.constant 0 : i32
        %dma_wait3A_67 = tpu.memref_slice %arg3[%multiple_of3A_42, %dma_wait3A] : memref<32768x64xf32, #tpu.memory_space<hbm>> -> memref<512x64xf32, #tpu.memory_space<hbm>>
        %dma_wait3A_68 = arith.constant 0 : i32
        %dma_wait3A_69 = tpu.memref_slice %arg3[%multiple_of3A_42, %dma_wait3A_68] : memref<32768x64xf32, #tpu.memory_space<hbm>> -> memref<512x64xf32, #tpu.memory_space<hbm>>
        tpu.wait_dma2 semaphore(%run_scoped3A : memref<!tpu.dma_semaphore, #tpu.memory_space<semaphore_mem>>) src(%dma_wait3A_69 : memref<512x64xf32, #tpu.memory_space<hbm>>) dst(%arg8 : memref<512x64xf32, #tpu.memory_space<vmem>>)
        tpu.yield
      }) : () -> ()
      %add3A_43 = arith.constant 0 : i32
      %add3A_44 = arith.addi %multiple_of3A_42, %add3A_43 : i32
      "tpu.region"() ({
        %run_scoped3A = tpu.sem_alloc : memref<!tpu.dma_semaphore, #tpu.memory_space<semaphore_mem>>
        %dma_start3A = tpu.memref_slice %arg2[%add3A_44] : memref<32768xi32, #tpu.memory_space<hbm>> -> memref<128xi32, #tpu.memory_space<hbm>>
        %dma_start3A_64 = tpu.memref_slice %arg2[%add3A_44] : memref<32768xi32, #tpu.memory_space<hbm>> -> memref<128xi32, #tpu.memory_space<hbm>>
        tpu.enqueue_dma source(%dma_start3A_64 : memref<128xi32, #tpu.memory_space<hbm>>) target(%arg7 : memref<128xi32, #tpu.memory_space<vmem>>) target_semaphore(%run_scoped3A : memref<!tpu.dma_semaphore, #tpu.memory_space<semaphore_mem>>)
        %dma_wait3A = tpu.memref_slice %arg2[%add3A_44] : memref<32768xi32, #tpu.memory_space<hbm>> -> memref<128xi32, #tpu.memory_space<hbm>>
        %dma_wait3A_65 = tpu.memref_slice %arg2[%add3A_44] : memref<32768xi32, #tpu.memory_space<hbm>> -> memref<128xi32, #tpu.memory_space<hbm>>
        tpu.wait_dma2 semaphore(%run_scoped3A : memref<!tpu.dma_semaphore, #tpu.memory_space<semaphore_mem>>) src(%dma_wait3A_65 : memref<128xi32, #tpu.memory_space<hbm>>) dst(%arg7 : memref<128xi32, #tpu.memory_space<vmem>>)
        tpu.yield
      }) : () -> ()
      "tpu.region"() ({
        %run_scoped3A = tpu.sem_alloc : memref<!tpu.dma_semaphore, #tpu.memory_space<semaphore_mem>>
        %dma_start3A = arith.constant 0 : i32
        %dma_start3A_64 = arith.constant 0 : i32
        %dma_start3A_65 = tpu.memref_slice %arg8[%dma_start3A, %dma_start3A_64] : memref<512x64xf32, #tpu.memory_space<vmem>> -> memref<128x64xf32, #tpu.memory_space<vmem>>
        %dma_start3A_66 = arith.constant 0 : i32
        %dma_start3A_67 = arith.constant 0 : i32
        %dma_start3A_68 = tpu.memref_slice %arg12[%dma_start3A_66, %dma_start3A_67] : memref<1024x64xf32, #tpu.memory_space<vmem_shared>> -> memref<1024x64xf32, #tpu.memory_space<vmem_shared>>
        tpu.enqueue_indirect_dma source(%dma_start3A_65 : memref<128x64xf32, #tpu.memory_space<vmem>>) target(%dma_start3A_68 : memref<1024x64xf32, #tpu.memory_space<vmem_shared>>) offsets(%arg7 : memref<128xi32, #tpu.memory_space<vmem>>) semaphore(%run_scoped3A : memref<!tpu.dma_semaphore, #tpu.memory_space<semaphore_mem>>) {add = true}
        %dma_wait3A = arith.constant 0 : i32
        %dma_wait3A_69 = arith.constant 0 : i32
        %dma_wait3A_70 = tpu.memref_slice %arg8[%dma_wait3A, %dma_wait3A_69] : memref<512x64xf32, #tpu.memory_space<vmem>> -> memref<128x64xf32, #tpu.memory_space<vmem>>
        %dma_wait3A_71 = arith.constant 0 : i32
        %dma_wait3A_72 = arith.constant 0 : i32
        %dma_wait3A_73 = tpu.memref_slice %arg12[%dma_wait3A_71, %dma_wait3A_72] : memref<1024x64xf32, #tpu.memory_space<vmem_shared>> -> memref<1024x64xf32, #tpu.memory_space<vmem_shared>>
        tpu.wait_indirect_dma semaphore(%run_scoped3A : memref<!tpu.dma_semaphore, #tpu.memory_space<semaphore_mem>>) src(%dma_wait3A_70 : memref<128x64xf32, #tpu.memory_space<vmem>>) dst(%dma_wait3A_73 : memref<1024x64xf32, #tpu.memory_space<vmem_shared>>)
        tpu.yield
      }) : () -> ()
      %add3A_45 = arith.constant 128 : i32
      %add3A_46 = arith.addi %multiple_of3A_42, %add3A_45 : i32
      "tpu.region"() ({
        %run_scoped3A = tpu.sem_alloc : memref<!tpu.dma_semaphore, #tpu.memory_space<semaphore_mem>>
        %dma_start3A = tpu.memref_slice %arg2[%add3A_46] : memref<32768xi32, #tpu.memory_space<hbm>> -> memref<128xi32, #tpu.memory_space<hbm>>
        %dma_start3A_64 = tpu.memref_slice %arg2[%add3A_46] : memref<32768xi32, #tpu.memory_space<hbm>> -> memref<128xi32, #tpu.memory_space<hbm>>
        tpu.enqueue_dma source(%dma_start3A_64 : memref<128xi32, #tpu.memory_space<hbm>>) target(%arg7 : memref<128xi32, #tpu.memory_space<vmem>>) target_semaphore(%run_scoped3A : memref<!tpu.dma_semaphore, #tpu.memory_space<semaphore_mem>>)
        %dma_wait3A = tpu.memref_slice %arg2[%add3A_46] : memref<32768xi32, #tpu.memory_space<hbm>> -> memref<128xi32, #tpu.memory_space<hbm>>
        %dma_wait3A_65 = tpu.memref_slice %arg2[%add3A_46] : memref<32768xi32, #tpu.memory_space<hbm>> -> memref<128xi32, #tpu.memory_space<hbm>>
        tpu.wait_dma2 semaphore(%run_scoped3A : memref<!tpu.dma_semaphore, #tpu.memory_space<semaphore_mem>>) src(%dma_wait3A_65 : memref<128xi32, #tpu.memory_space<hbm>>) dst(%arg7 : memref<128xi32, #tpu.memory_space<vmem>>)
        tpu.yield
      }) : () -> ()
      "tpu.region"() ({
        %run_scoped3A = tpu.sem_alloc : memref<!tpu.dma_semaphore, #tpu.memory_space<semaphore_mem>>
        %dma_start3A = arith.constant 128 : i32
        %dma_start3A_64 = arith.constant 0 : i32
        %dma_start3A_65 = tpu.memref_slice %arg8[%dma_start3A, %dma_start3A_64] : memref<512x64xf32, #tpu.memory_space<vmem>> -> memref<128x64xf32, #tpu.memory_space<vmem>>
        %dma_start3A_66 = arith.constant 0 : i32
        %dma_start3A_67 = arith.constant 0 : i32
        %dma_start3A_68 = tpu.memref_slice %arg12[%dma_start3A_66, %dma_start3A_67] : memref<1024x64xf32, #tpu.memory_space<vmem_shared>> -> memref<1024x64xf32, #tpu.memory_space<vmem_shared>>
        tpu.enqueue_indirect_dma source(%dma_start3A_65 : memref<128x64xf32, #tpu.memory_space<vmem>>) target(%dma_start3A_68 : memref<1024x64xf32, #tpu.memory_space<vmem_shared>>) offsets(%arg7 : memref<128xi32, #tpu.memory_space<vmem>>) semaphore(%run_scoped3A : memref<!tpu.dma_semaphore, #tpu.memory_space<semaphore_mem>>) {add = true}
        %dma_wait3A = arith.constant 128 : i32
        %dma_wait3A_69 = arith.constant 0 : i32
        %dma_wait3A_70 = tpu.memref_slice %arg8[%dma_wait3A, %dma_wait3A_69] : memref<512x64xf32, #tpu.memory_space<vmem>> -> memref<128x64xf32, #tpu.memory_space<vmem>>
        %dma_wait3A_71 = arith.constant 0 : i32
        %dma_wait3A_72 = arith.constant 0 : i32
        %dma_wait3A_73 = tpu.memref_slice %arg12[%dma_wait3A_71, %dma_wait3A_72] : memref<1024x64xf32, #tpu.memory_space<vmem_shared>> -> memref<1024x64xf32, #tpu.memory_space<vmem_shared>>
        tpu.wait_indirect_dma semaphore(%run_scoped3A : memref<!tpu.dma_semaphore, #tpu.memory_space<semaphore_mem>>) src(%dma_wait3A_70 : memref<128x64xf32, #tpu.memory_space<vmem>>) dst(%dma_wait3A_73 : memref<1024x64xf32, #tpu.memory_space<vmem_shared>>)
        tpu.yield
      }) : () -> ()
      %add3A_47 = arith.constant 256 : i32
      %add3A_48 = arith.addi %multiple_of3A_42, %add3A_47 : i32
      "tpu.region"() ({
        %run_scoped3A = tpu.sem_alloc : memref<!tpu.dma_semaphore, #tpu.memory_space<semaphore_mem>>
        %dma_start3A = tpu.memref_slice %arg2[%add3A_48] : memref<32768xi32, #tpu.memory_space<hbm>> -> memref<128xi32, #tpu.memory_space<hbm>>
        %dma_start3A_64 = tpu.memref_slice %arg2[%add3A_48] : memref<32768xi32, #tpu.memory_space<hbm>> -> memref<128xi32, #tpu.memory_space<hbm>>
        tpu.enqueue_dma source(%dma_start3A_64 : memref<128xi32, #tpu.memory_space<hbm>>) target(%arg7 : memref<128xi32, #tpu.memory_space<vmem>>) target_semaphore(%run_scoped3A : memref<!tpu.dma_semaphore, #tpu.memory_space<semaphore_mem>>)
        %dma_wait3A = tpu.memref_slice %arg2[%add3A_48] : memref<32768xi32, #tpu.memory_space<hbm>> -> memref<128xi32, #tpu.memory_space<hbm>>
        %dma_wait3A_65 = tpu.memref_slice %arg2[%add3A_48] : memref<32768xi32, #tpu.memory_space<hbm>> -> memref<128xi32, #tpu.memory_space<hbm>>
        tpu.wait_dma2 semaphore(%run_scoped3A : memref<!tpu.dma_semaphore, #tpu.memory_space<semaphore_mem>>) src(%dma_wait3A_65 : memref<128xi32, #tpu.memory_space<hbm>>) dst(%arg7 : memref<128xi32, #tpu.memory_space<vmem>>)
        tpu.yield
      }) : () -> ()
      "tpu.region"() ({
        %run_scoped3A = tpu.sem_alloc : memref<!tpu.dma_semaphore, #tpu.memory_space<semaphore_mem>>
        %dma_start3A = arith.constant 256 : i32
        %dma_start3A_64 = arith.constant 0 : i32
        %dma_start3A_65 = tpu.memref_slice %arg8[%dma_start3A, %dma_start3A_64] : memref<512x64xf32, #tpu.memory_space<vmem>> -> memref<128x64xf32, #tpu.memory_space<vmem>>
        %dma_start3A_66 = arith.constant 0 : i32
        %dma_start3A_67 = arith.constant 0 : i32
        %dma_start3A_68 = tpu.memref_slice %arg12[%dma_start3A_66, %dma_start3A_67] : memref<1024x64xf32, #tpu.memory_space<vmem_shared>> -> memref<1024x64xf32, #tpu.memory_space<vmem_shared>>
        tpu.enqueue_indirect_dma source(%dma_start3A_65 : memref<128x64xf32, #tpu.memory_space<vmem>>) target(%dma_start3A_68 : memref<1024x64xf32, #tpu.memory_space<vmem_shared>>) offsets(%arg7 : memref<128xi32, #tpu.memory_space<vmem>>) semaphore(%run_scoped3A : memref<!tpu.dma_semaphore, #tpu.memory_space<semaphore_mem>>) {add = true}
        %dma_wait3A = arith.constant 256 : i32
        %dma_wait3A_69 = arith.constant 0 : i32
        %dma_wait3A_70 = tpu.memref_slice %arg8[%dma_wait3A, %dma_wait3A_69] : memref<512x64xf32, #tpu.memory_space<vmem>> -> memref<128x64xf32, #tpu.memory_space<vmem>>
        %dma_wait3A_71 = arith.constant 0 : i32
        %dma_wait3A_72 = arith.constant 0 : i32
        %dma_wait3A_73 = tpu.memref_slice %arg12[%dma_wait3A_71, %dma_wait3A_72] : memref<1024x64xf32, #tpu.memory_space<vmem_shared>> -> memref<1024x64xf32, #tpu.memory_space<vmem_shared>>
        tpu.wait_indirect_dma semaphore(%run_scoped3A : memref<!tpu.dma_semaphore, #tpu.memory_space<semaphore_mem>>) src(%dma_wait3A_70 : memref<128x64xf32, #tpu.memory_space<vmem>>) dst(%dma_wait3A_73 : memref<1024x64xf32, #tpu.memory_space<vmem_shared>>)
        tpu.yield
      }) : () -> ()
      %add3A_49 = arith.constant 384 : i32
      %add3A_50 = arith.addi %multiple_of3A_42, %add3A_49 : i32
      "tpu.region"() ({
        %run_scoped3A = tpu.sem_alloc : memref<!tpu.dma_semaphore, #tpu.memory_space<semaphore_mem>>
        %dma_start3A = tpu.memref_slice %arg2[%add3A_50] : memref<32768xi32, #tpu.memory_space<hbm>> -> memref<128xi32, #tpu.memory_space<hbm>>
        %dma_start3A_64 = tpu.memref_slice %arg2[%add3A_50] : memref<32768xi32, #tpu.memory_space<hbm>> -> memref<128xi32, #tpu.memory_space<hbm>>
        tpu.enqueue_dma source(%dma_start3A_64 : memref<128xi32, #tpu.memory_space<hbm>>) target(%arg7 : memref<128xi32, #tpu.memory_space<vmem>>) target_semaphore(%run_scoped3A : memref<!tpu.dma_semaphore, #tpu.memory_space<semaphore_mem>>)
        %dma_wait3A = tpu.memref_slice %arg2[%add3A_50] : memref<32768xi32, #tpu.memory_space<hbm>> -> memref<128xi32, #tpu.memory_space<hbm>>
        %dma_wait3A_65 = tpu.memref_slice %arg2[%add3A_50] : memref<32768xi32, #tpu.memory_space<hbm>> -> memref<128xi32, #tpu.memory_space<hbm>>
        tpu.wait_dma2 semaphore(%run_scoped3A : memref<!tpu.dma_semaphore, #tpu.memory_space<semaphore_mem>>) src(%dma_wait3A_65 : memref<128xi32, #tpu.memory_space<hbm>>) dst(%arg7 : memref<128xi32, #tpu.memory_space<vmem>>)
        tpu.yield
      }) : () -> ()
      "tpu.region"() ({
        %run_scoped3A = tpu.sem_alloc : memref<!tpu.dma_semaphore, #tpu.memory_space<semaphore_mem>>
        %dma_start3A = arith.constant 384 : i32
        %dma_start3A_64 = arith.constant 0 : i32
        %dma_start3A_65 = tpu.memref_slice %arg8[%dma_start3A, %dma_start3A_64] : memref<512x64xf32, #tpu.memory_space<vmem>> -> memref<128x64xf32, #tpu.memory_space<vmem>>
        %dma_start3A_66 = arith.constant 0 : i32
        %dma_start3A_67 = arith.constant 0 : i32
        %dma_start3A_68 = tpu.memref_slice %arg12[%dma_start3A_66, %dma_start3A_67] : memref<1024x64xf32, #tpu.memory_space<vmem_shared>> -> memref<1024x64xf32, #tpu.memory_space<vmem_shared>>
        tpu.enqueue_indirect_dma source(%dma_start3A_65 : memref<128x64xf32, #tpu.memory_space<vmem>>) target(%dma_start3A_68 : memref<1024x64xf32, #tpu.memory_space<vmem_shared>>) offsets(%arg7 : memref<128xi32, #tpu.memory_space<vmem>>) semaphore(%run_scoped3A : memref<!tpu.dma_semaphore, #tpu.memory_space<semaphore_mem>>) {add = true}
        %dma_wait3A = arith.constant 384 : i32
        %dma_wait3A_69 = arith.constant 0 : i32
        %dma_wait3A_70 = tpu.memref_slice %arg8[%dma_wait3A, %dma_wait3A_69] : memref<512x64xf32, #tpu.memory_space<vmem>> -> memref<128x64xf32, #tpu.memory_space<vmem>>
        %dma_wait3A_71 = arith.constant 0 : i32
        %dma_wait3A_72 = arith.constant 0 : i32
        %dma_wait3A_73 = tpu.memref_slice %arg12[%dma_wait3A_71, %dma_wait3A_72] : memref<1024x64xf32, #tpu.memory_space<vmem_shared>> -> memref<1024x64xf32, #tpu.memory_space<vmem_shared>>
        tpu.wait_indirect_dma semaphore(%run_scoped3A : memref<!tpu.dma_semaphore, #tpu.memory_space<semaphore_mem>>) src(%dma_wait3A_70 : memref<128x64xf32, #tpu.memory_space<vmem>>) dst(%dma_wait3A_73 : memref<1024x64xf32, #tpu.memory_space<vmem_shared>>)
        tpu.yield
      }) : () -> ()
      %mul3A_51 = arith.constant 2048 : i32
      %mul3A_52 = arith.muli %arg1, %mul3A_51 : i32
      %add3A_53 = arith.constant 1536 : i32
      %add3A_54 = arith.addi %mul3A_52, %add3A_53 : i32
      %multiple_of3A_55 = tpu.assume_multiple %add3A_54, 512 : i32
      "tpu.region"() ({
        %run_scoped3A = tpu.sem_alloc : memref<!tpu.dma_semaphore, #tpu.memory_space<semaphore_mem>>
        %dma_start3A = arith.constant 0 : i32
        %dma_start3A_64 = tpu.memref_slice %arg3[%multiple_of3A_55, %dma_start3A] : memref<32768x64xf32, #tpu.memory_space<hbm>> -> memref<512x64xf32, #tpu.memory_space<hbm>>
        %dma_start3A_65 = arith.constant 0 : i32
        %dma_start3A_66 = tpu.memref_slice %arg3[%multiple_of3A_55, %dma_start3A_65] : memref<32768x64xf32, #tpu.memory_space<hbm>> -> memref<512x64xf32, #tpu.memory_space<hbm>>
        tpu.enqueue_dma source(%dma_start3A_66 : memref<512x64xf32, #tpu.memory_space<hbm>>) target(%arg8 : memref<512x64xf32, #tpu.memory_space<vmem>>) target_semaphore(%run_scoped3A : memref<!tpu.dma_semaphore, #tpu.memory_space<semaphore_mem>>)
        %dma_wait3A = arith.constant 0 : i32
        %dma_wait3A_67 = tpu.memref_slice %arg3[%multiple_of3A_55, %dma_wait3A] : memref<32768x64xf32, #tpu.memory_space<hbm>> -> memref<512x64xf32, #tpu.memory_space<hbm>>
        %dma_wait3A_68 = arith.constant 0 : i32
        %dma_wait3A_69 = tpu.memref_slice %arg3[%multiple_of3A_55, %dma_wait3A_68] : memref<32768x64xf32, #tpu.memory_space<hbm>> -> memref<512x64xf32, #tpu.memory_space<hbm>>
        tpu.wait_dma2 semaphore(%run_scoped3A : memref<!tpu.dma_semaphore, #tpu.memory_space<semaphore_mem>>) src(%dma_wait3A_69 : memref<512x64xf32, #tpu.memory_space<hbm>>) dst(%arg8 : memref<512x64xf32, #tpu.memory_space<vmem>>)
        tpu.yield
      }) : () -> ()
      %add3A_56 = arith.constant 0 : i32
      %add3A_57 = arith.addi %multiple_of3A_55, %add3A_56 : i32
      "tpu.region"() ({
        %run_scoped3A = tpu.sem_alloc : memref<!tpu.dma_semaphore, #tpu.memory_space<semaphore_mem>>
        %dma_start3A = tpu.memref_slice %arg2[%add3A_57] : memref<32768xi32, #tpu.memory_space<hbm>> -> memref<128xi32, #tpu.memory_space<hbm>>
        %dma_start3A_64 = tpu.memref_slice %arg2[%add3A_57] : memref<32768xi32, #tpu.memory_space<hbm>> -> memref<128xi32, #tpu.memory_space<hbm>>
        tpu.enqueue_dma source(%dma_start3A_64 : memref<128xi32, #tpu.memory_space<hbm>>) target(%arg7 : memref<128xi32, #tpu.memory_space<vmem>>) target_semaphore(%run_scoped3A : memref<!tpu.dma_semaphore, #tpu.memory_space<semaphore_mem>>)
        %dma_wait3A = tpu.memref_slice %arg2[%add3A_57] : memref<32768xi32, #tpu.memory_space<hbm>> -> memref<128xi32, #tpu.memory_space<hbm>>
        %dma_wait3A_65 = tpu.memref_slice %arg2[%add3A_57] : memref<32768xi32, #tpu.memory_space<hbm>> -> memref<128xi32, #tpu.memory_space<hbm>>
        tpu.wait_dma2 semaphore(%run_scoped3A : memref<!tpu.dma_semaphore, #tpu.memory_space<semaphore_mem>>) src(%dma_wait3A_65 : memref<128xi32, #tpu.memory_space<hbm>>) dst(%arg7 : memref<128xi32, #tpu.memory_space<vmem>>)
        tpu.yield
      }) : () -> ()
      "tpu.region"() ({
        %run_scoped3A = tpu.sem_alloc : memref<!tpu.dma_semaphore, #tpu.memory_space<semaphore_mem>>
        %dma_start3A = arith.constant 0 : i32
        %dma_start3A_64 = arith.constant 0 : i32
        %dma_start3A_65 = tpu.memref_slice %arg8[%dma_start3A, %dma_start3A_64] : memref<512x64xf32, #tpu.memory_space<vmem>> -> memref<128x64xf32, #tpu.memory_space<vmem>>
        %dma_start3A_66 = arith.constant 0 : i32
        %dma_start3A_67 = arith.constant 0 : i32
        %dma_start3A_68 = tpu.memref_slice %arg12[%dma_start3A_66, %dma_start3A_67] : memref<1024x64xf32, #tpu.memory_space<vmem_shared>> -> memref<1024x64xf32, #tpu.memory_space<vmem_shared>>
        tpu.enqueue_indirect_dma source(%dma_start3A_65 : memref<128x64xf32, #tpu.memory_space<vmem>>) target(%dma_start3A_68 : memref<1024x64xf32, #tpu.memory_space<vmem_shared>>) offsets(%arg7 : memref<128xi32, #tpu.memory_space<vmem>>) semaphore(%run_scoped3A : memref<!tpu.dma_semaphore, #tpu.memory_space<semaphore_mem>>) {add = true}
        %dma_wait3A = arith.constant 0 : i32
        %dma_wait3A_69 = arith.constant 0 : i32
        %dma_wait3A_70 = tpu.memref_slice %arg8[%dma_wait3A, %dma_wait3A_69] : memref<512x64xf32, #tpu.memory_space<vmem>> -> memref<128x64xf32, #tpu.memory_space<vmem>>
        %dma_wait3A_71 = arith.constant 0 : i32
        %dma_wait3A_72 = arith.constant 0 : i32
        %dma_wait3A_73 = tpu.memref_slice %arg12[%dma_wait3A_71, %dma_wait3A_72] : memref<1024x64xf32, #tpu.memory_space<vmem_shared>> -> memref<1024x64xf32, #tpu.memory_space<vmem_shared>>
        tpu.wait_indirect_dma semaphore(%run_scoped3A : memref<!tpu.dma_semaphore, #tpu.memory_space<semaphore_mem>>) src(%dma_wait3A_70 : memref<128x64xf32, #tpu.memory_space<vmem>>) dst(%dma_wait3A_73 : memref<1024x64xf32, #tpu.memory_space<vmem_shared>>)
        tpu.yield
      }) : () -> ()
      %add3A_58 = arith.constant 128 : i32
      %add3A_59 = arith.addi %multiple_of3A_55, %add3A_58 : i32
      "tpu.region"() ({
        %run_scoped3A = tpu.sem_alloc : memref<!tpu.dma_semaphore, #tpu.memory_space<semaphore_mem>>
        %dma_start3A = tpu.memref_slice %arg2[%add3A_59] : memref<32768xi32, #tpu.memory_space<hbm>> -> memref<128xi32, #tpu.memory_space<hbm>>
        %dma_start3A_64 = tpu.memref_slice %arg2[%add3A_59] : memref<32768xi32, #tpu.memory_space<hbm>> -> memref<128xi32, #tpu.memory_space<hbm>>
        tpu.enqueue_dma source(%dma_start3A_64 : memref<128xi32, #tpu.memory_space<hbm>>) target(%arg7 : memref<128xi32, #tpu.memory_space<vmem>>) target_semaphore(%run_scoped3A : memref<!tpu.dma_semaphore, #tpu.memory_space<semaphore_mem>>)
        %dma_wait3A = tpu.memref_slice %arg2[%add3A_59] : memref<32768xi32, #tpu.memory_space<hbm>> -> memref<128xi32, #tpu.memory_space<hbm>>
        %dma_wait3A_65 = tpu.memref_slice %arg2[%add3A_59] : memref<32768xi32, #tpu.memory_space<hbm>> -> memref<128xi32, #tpu.memory_space<hbm>>
        tpu.wait_dma2 semaphore(%run_scoped3A : memref<!tpu.dma_semaphore, #tpu.memory_space<semaphore_mem>>) src(%dma_wait3A_65 : memref<128xi32, #tpu.memory_space<hbm>>) dst(%arg7 : memref<128xi32, #tpu.memory_space<vmem>>)
        tpu.yield
      }) : () -> ()
      "tpu.region"() ({
        %run_scoped3A = tpu.sem_alloc : memref<!tpu.dma_semaphore, #tpu.memory_space<semaphore_mem>>
        %dma_start3A = arith.constant 128 : i32
        %dma_start3A_64 = arith.constant 0 : i32
        %dma_start3A_65 = tpu.memref_slice %arg8[%dma_start3A, %dma_start3A_64] : memref<512x64xf32, #tpu.memory_space<vmem>> -> memref<128x64xf32, #tpu.memory_space<vmem>>
        %dma_start3A_66 = arith.constant 0 : i32
        %dma_start3A_67 = arith.constant 0 : i32
        %dma_start3A_68 = tpu.memref_slice %arg12[%dma_start3A_66, %dma_start3A_67] : memref<1024x64xf32, #tpu.memory_space<vmem_shared>> -> memref<1024x64xf32, #tpu.memory_space<vmem_shared>>
        tpu.enqueue_indirect_dma source(%dma_start3A_65 : memref<128x64xf32, #tpu.memory_space<vmem>>) target(%dma_start3A_68 : memref<1024x64xf32, #tpu.memory_space<vmem_shared>>) offsets(%arg7 : memref<128xi32, #tpu.memory_space<vmem>>) semaphore(%run_scoped3A : memref<!tpu.dma_semaphore, #tpu.memory_space<semaphore_mem>>) {add = true}
        %dma_wait3A = arith.constant 128 : i32
        %dma_wait3A_69 = arith.constant 0 : i32
        %dma_wait3A_70 = tpu.memref_slice %arg8[%dma_wait3A, %dma_wait3A_69] : memref<512x64xf32, #tpu.memory_space<vmem>> -> memref<128x64xf32, #tpu.memory_space<vmem>>
        %dma_wait3A_71 = arith.constant 0 : i32
        %dma_wait3A_72 = arith.constant 0 : i32
        %dma_wait3A_73 = tpu.memref_slice %arg12[%dma_wait3A_71, %dma_wait3A_72] : memref<1024x64xf32, #tpu.memory_space<vmem_shared>> -> memref<1024x64xf32, #tpu.memory_space<vmem_shared>>
        tpu.wait_indirect_dma semaphore(%run_scoped3A : memref<!tpu.dma_semaphore, #tpu.memory_space<semaphore_mem>>) src(%dma_wait3A_70 : memref<128x64xf32, #tpu.memory_space<vmem>>) dst(%dma_wait3A_73 : memref<1024x64xf32, #tpu.memory_space<vmem_shared>>)
        tpu.yield
      }) : () -> ()
      %add3A_60 = arith.constant 256 : i32
      %add3A_61 = arith.addi %multiple_of3A_55, %add3A_60 : i32
      "tpu.region"() ({
        %run_scoped3A = tpu.sem_alloc : memref<!tpu.dma_semaphore, #tpu.memory_space<semaphore_mem>>
        %dma_start3A = tpu.memref_slice %arg2[%add3A_61] : memref<32768xi32, #tpu.memory_space<hbm>> -> memref<128xi32, #tpu.memory_space<hbm>>
        %dma_start3A_64 = tpu.memref_slice %arg2[%add3A_61] : memref<32768xi32, #tpu.memory_space<hbm>> -> memref<128xi32, #tpu.memory_space<hbm>>
        tpu.enqueue_dma source(%dma_start3A_64 : memref<128xi32, #tpu.memory_space<hbm>>) target(%arg7 : memref<128xi32, #tpu.memory_space<vmem>>) target_semaphore(%run_scoped3A : memref<!tpu.dma_semaphore, #tpu.memory_space<semaphore_mem>>)
        %dma_wait3A = tpu.memref_slice %arg2[%add3A_61] : memref<32768xi32, #tpu.memory_space<hbm>> -> memref<128xi32, #tpu.memory_space<hbm>>
        %dma_wait3A_65 = tpu.memref_slice %arg2[%add3A_61] : memref<32768xi32, #tpu.memory_space<hbm>> -> memref<128xi32, #tpu.memory_space<hbm>>
        tpu.wait_dma2 semaphore(%run_scoped3A : memref<!tpu.dma_semaphore, #tpu.memory_space<semaphore_mem>>) src(%dma_wait3A_65 : memref<128xi32, #tpu.memory_space<hbm>>) dst(%arg7 : memref<128xi32, #tpu.memory_space<vmem>>)
        tpu.yield
      }) : () -> ()
      "tpu.region"() ({
        %run_scoped3A = tpu.sem_alloc : memref<!tpu.dma_semaphore, #tpu.memory_space<semaphore_mem>>
        %dma_start3A = arith.constant 256 : i32
        %dma_start3A_64 = arith.constant 0 : i32
        %dma_start3A_65 = tpu.memref_slice %arg8[%dma_start3A, %dma_start3A_64] : memref<512x64xf32, #tpu.memory_space<vmem>> -> memref<128x64xf32, #tpu.memory_space<vmem>>
        %dma_start3A_66 = arith.constant 0 : i32
        %dma_start3A_67 = arith.constant 0 : i32
        %dma_start3A_68 = tpu.memref_slice %arg12[%dma_start3A_66, %dma_start3A_67] : memref<1024x64xf32, #tpu.memory_space<vmem_shared>> -> memref<1024x64xf32, #tpu.memory_space<vmem_shared>>
        tpu.enqueue_indirect_dma source(%dma_start3A_65 : memref<128x64xf32, #tpu.memory_space<vmem>>) target(%dma_start3A_68 : memref<1024x64xf32, #tpu.memory_space<vmem_shared>>) offsets(%arg7 : memref<128xi32, #tpu.memory_space<vmem>>) semaphore(%run_scoped3A : memref<!tpu.dma_semaphore, #tpu.memory_space<semaphore_mem>>) {add = true}
        %dma_wait3A = arith.constant 256 : i32
        %dma_wait3A_69 = arith.constant 0 : i32
        %dma_wait3A_70 = tpu.memref_slice %arg8[%dma_wait3A, %dma_wait3A_69] : memref<512x64xf32, #tpu.memory_space<vmem>> -> memref<128x64xf32, #tpu.memory_space<vmem>>
        %dma_wait3A_71 = arith.constant 0 : i32
        %dma_wait3A_72 = arith.constant 0 : i32
        %dma_wait3A_73 = tpu.memref_slice %arg12[%dma_wait3A_71, %dma_wait3A_72] : memref<1024x64xf32, #tpu.memory_space<vmem_shared>> -> memref<1024x64xf32, #tpu.memory_space<vmem_shared>>
        tpu.wait_indirect_dma semaphore(%run_scoped3A : memref<!tpu.dma_semaphore, #tpu.memory_space<semaphore_mem>>) src(%dma_wait3A_70 : memref<128x64xf32, #tpu.memory_space<vmem>>) dst(%dma_wait3A_73 : memref<1024x64xf32, #tpu.memory_space<vmem_shared>>)
        tpu.yield
      }) : () -> ()
      %add3A_62 = arith.constant 384 : i32
      %add3A_63 = arith.addi %multiple_of3A_55, %add3A_62 : i32
      "tpu.region"() ({
        %run_scoped3A = tpu.sem_alloc : memref<!tpu.dma_semaphore, #tpu.memory_space<semaphore_mem>>
        %dma_start3A = tpu.memref_slice %arg2[%add3A_63] : memref<32768xi32, #tpu.memory_space<hbm>> -> memref<128xi32, #tpu.memory_space<hbm>>
        %dma_start3A_64 = tpu.memref_slice %arg2[%add3A_63] : memref<32768xi32, #tpu.memory_space<hbm>> -> memref<128xi32, #tpu.memory_space<hbm>>
        tpu.enqueue_dma source(%dma_start3A_64 : memref<128xi32, #tpu.memory_space<hbm>>) target(%arg7 : memref<128xi32, #tpu.memory_space<vmem>>) target_semaphore(%run_scoped3A : memref<!tpu.dma_semaphore, #tpu.memory_space<semaphore_mem>>)
        %dma_wait3A = tpu.memref_slice %arg2[%add3A_63] : memref<32768xi32, #tpu.memory_space<hbm>> -> memref<128xi32, #tpu.memory_space<hbm>>
        %dma_wait3A_65 = tpu.memref_slice %arg2[%add3A_63] : memref<32768xi32, #tpu.memory_space<hbm>> -> memref<128xi32, #tpu.memory_space<hbm>>
        tpu.wait_dma2 semaphore(%run_scoped3A : memref<!tpu.dma_semaphore, #tpu.memory_space<semaphore_mem>>) src(%dma_wait3A_65 : memref<128xi32, #tpu.memory_space<hbm>>) dst(%arg7 : memref<128xi32, #tpu.memory_space<vmem>>)
        tpu.yield
      }) : () -> ()
      "tpu.region"() ({
        %run_scoped3A = tpu.sem_alloc : memref<!tpu.dma_semaphore, #tpu.memory_space<semaphore_mem>>
        %dma_start3A = arith.constant 384 : i32
        %dma_start3A_64 = arith.constant 0 : i32
        %dma_start3A_65 = tpu.memref_slice %arg8[%dma_start3A, %dma_start3A_64] : memref<512x64xf32, #tpu.memory_space<vmem>> -> memref<128x64xf32, #tpu.memory_space<vmem>>
        %dma_start3A_66 = arith.constant 0 : i32
        %dma_start3A_67 = arith.constant 0 : i32
        %dma_start3A_68 = tpu.memref_slice %arg12[%dma_start3A_66, %dma_start3A_67] : memref<1024x64xf32, #tpu.memory_space<vmem_shared>> -> memref<1024x64xf32, #tpu.memory_space<vmem_shared>>
        tpu.enqueue_indirect_dma source(%dma_start3A_65 : memref<128x64xf32, #tpu.memory_space<vmem>>) target(%dma_start3A_68 : memref<1024x64xf32, #tpu.memory_space<vmem_shared>>) offsets(%arg7 : memref<128xi32, #tpu.memory_space<vmem>>) semaphore(%run_scoped3A : memref<!tpu.dma_semaphore, #tpu.memory_space<semaphore_mem>>) {add = true}
        %dma_wait3A = arith.constant 384 : i32
        %dma_wait3A_69 = arith.constant 0 : i32
        %dma_wait3A_70 = tpu.memref_slice %arg8[%dma_wait3A, %dma_wait3A_69] : memref<512x64xf32, #tpu.memory_space<vmem>> -> memref<128x64xf32, #tpu.memory_space<vmem>>
        %dma_wait3A_71 = arith.constant 0 : i32
        %dma_wait3A_72 = arith.constant 0 : i32
        %dma_wait3A_73 = tpu.memref_slice %arg12[%dma_wait3A_71, %dma_wait3A_72] : memref<1024x64xf32, #tpu.memory_space<vmem_shared>> -> memref<1024x64xf32, #tpu.memory_space<vmem_shared>>
        tpu.wait_indirect_dma semaphore(%run_scoped3A : memref<!tpu.dma_semaphore, #tpu.memory_space<semaphore_mem>>) src(%dma_wait3A_70 : memref<128x64xf32, #tpu.memory_space<vmem>>) dst(%dma_wait3A_73 : memref<1024x64xf32, #tpu.memory_space<vmem_shared>>)
        tpu.yield
      }) : () -> ()
    } else {
    }
    %barrier3A_9 = arith.constant 0 : index
    tpu.barrier barrier_id(%barrier3A_9)
    %eq3A_10 = arith.constant 0 : i32
    %eq3A_11 = arith.cmpi eq, %arg0, %eq3A_10 : i32
    %convert_element_type3A_12 = arith.extui %eq3A_11 : i1 to i32
    %cond3A_13 = arith.constant 0 : i32
    %cond3A_14 = arith.cmpi ne, %convert_element_type3A_12, %cond3A_13 : i32
    scf.if %cond3A_14 {
      %mul3A = arith.constant 64 : i32
      %mul3A_15 = arith.muli %arg1, %mul3A : i32
      %multiple_of3A = tpu.assume_multiple %mul3A_15, 64 : i32
      "tpu.region"() ({
        %run_scoped3A = tpu.sem_alloc : memref<!tpu.dma_semaphore, #tpu.memory_space<semaphore_mem>>
        %dma_start3A = arith.constant 0 : i32
        %dma_start3A_21 = tpu.memref_slice %arg12[%multiple_of3A, %dma_start3A] : memref<1024x64xf32, #tpu.memory_space<vmem_shared>> -> memref<64x64xf32, #tpu.memory_space<vmem_shared>>
        %dma_start3A_22 = arith.constant 0 : i32
        %dma_start3A_23 = tpu.memref_slice %arg12[%multiple_of3A, %dma_start3A_22] : memref<1024x64xf32, #tpu.memory_space<vmem_shared>> -> memref<64x64xf32, #tpu.memory_space<vmem_shared>>
        tpu.enqueue_dma source(%dma_start3A_23 : memref<64x64xf32, #tpu.memory_space<vmem_shared>>) target(%arg9 : memref<64x64xf32, #tpu.memory_space<vmem>>) target_semaphore(%run_scoped3A : memref<!tpu.dma_semaphore, #tpu.memory_space<semaphore_mem>>)
        %dma_wait3A = arith.constant 0 : i32
        %dma_wait3A_24 = tpu.memref_slice %arg12[%multiple_of3A, %dma_wait3A] : memref<1024x64xf32, #tpu.memory_space<vmem_shared>> -> memref<64x64xf32, #tpu.memory_space<vmem_shared>>
        %dma_wait3A_25 = arith.constant 0 : i32
        %dma_wait3A_26 = tpu.memref_slice %arg12[%multiple_of3A, %dma_wait3A_25] : memref<1024x64xf32, #tpu.memory_space<vmem_shared>> -> memref<64x64xf32, #tpu.memory_space<vmem_shared>>
        tpu.wait_dma2 semaphore(%run_scoped3A : memref<!tpu.dma_semaphore, #tpu.memory_space<semaphore_mem>>) src(%dma_wait3A_26 : memref<64x64xf32, #tpu.memory_space<vmem_shared>>) dst(%arg9 : memref<64x64xf32, #tpu.memory_space<vmem>>)
        tpu.yield
      }) : () -> ()
      "tpu.region"() ({
        %run_scoped3A = tpu.sem_alloc : memref<!tpu.dma_semaphore, #tpu.memory_space<semaphore_mem>>
        %dma_start3A = arith.constant 0 : i32
        %dma_start3A_21 = tpu.memref_slice %arg4[%multiple_of3A, %dma_start3A] : memref<1024x64xf32, #tpu.memory_space<hbm>> -> memref<64x64xf32, #tpu.memory_space<hbm>>
        %dma_start3A_22 = arith.constant 0 : i32
        %dma_start3A_23 = tpu.memref_slice %arg4[%multiple_of3A, %dma_start3A_22] : memref<1024x64xf32, #tpu.memory_space<hbm>> -> memref<64x64xf32, #tpu.memory_space<hbm>>
        tpu.enqueue_dma source(%dma_start3A_23 : memref<64x64xf32, #tpu.memory_space<hbm>>) target(%arg10 : memref<64x64xf32, #tpu.memory_space<vmem>>) target_semaphore(%run_scoped3A : memref<!tpu.dma_semaphore, #tpu.memory_space<semaphore_mem>>)
        %dma_wait3A = arith.constant 0 : i32
        %dma_wait3A_24 = tpu.memref_slice %arg4[%multiple_of3A, %dma_wait3A] : memref<1024x64xf32, #tpu.memory_space<hbm>> -> memref<64x64xf32, #tpu.memory_space<hbm>>
        %dma_wait3A_25 = arith.constant 0 : i32
        %dma_wait3A_26 = tpu.memref_slice %arg4[%multiple_of3A, %dma_wait3A_25] : memref<1024x64xf32, #tpu.memory_space<hbm>> -> memref<64x64xf32, #tpu.memory_space<hbm>>
        tpu.wait_dma2 semaphore(%run_scoped3A : memref<!tpu.dma_semaphore, #tpu.memory_space<semaphore_mem>>) src(%dma_wait3A_26 : memref<64x64xf32, #tpu.memory_space<hbm>>) dst(%arg10 : memref<64x64xf32, #tpu.memory_space<vmem>>)
        tpu.yield
      }) : () -> ()
      %scan3A = arith.constant 0 : i32
      %scan3A_16 = arith.constant 0 : i32
      %scan3A_17 = arith.constant 64 : i32
      %scan3A_18 = arith.addi %scan3A_16, %scan3A_17 : i32
      %scan3A_19 = arith.constant 1 : i32
      scf.for %scan3A_21 = %scan3A_16 to %scan3A_18 step %scan3A_19  : i32 {
        %get3A = arith.index_cast %scan3A_21 : i32 to index
        %get3A_22 = arith.constant 0 : index
        %get3A_23 = tpu.vector_load %arg10[%get3A, %get3A_22] {strides = array<i32>} : memref<64x64xf32, #tpu.memory_space<vmem>>, vector<1x16xf32>,
        %get3A_24 = vector.shape_cast %get3A_23 : vector<1x16xf32> to vector<16xf32>
        %mul3A_25 = arith.constant 9.900000e-01 : f32
        %mul3A_26 = vector.broadcast %mul3A_25 : f32 to vector<16xf32>
        %mul3A_27 = arith.mulf %mul3A_26, %get3A_24 : vector<16xf32>
        %get3A_28 = arith.index_cast %scan3A_21 : i32 to index
        %get3A_29 = arith.constant 0 : index
        %get3A_30 = tpu.vector_load %arg9[%get3A_28, %get3A_29] {strides = array<i32>} : memref<64x64xf32, #tpu.memory_space<vmem>>, vector<1x16xf32>,
        %get3A_31 = vector.shape_cast %get3A_30 : vector<1x16xf32> to vector<16xf32>
        %mul3A_32 = arith.constant 0.00999999977 : f32
        %mul3A_33 = vector.broadcast %mul3A_32 : f32 to vector<16xf32>
        %mul3A_34 = arith.mulf %mul3A_33, %get3A_31 : vector<16xf32>
        %add3A = arith.addf %mul3A_27, %mul3A_34 : vector<16xf32>
        %swap3A = arith.index_cast %scan3A_21 : i32 to index
        %swap3A_35 = arith.constant 0 : index
        %swap3A_36 = tpu.vector_load %arg11[%swap3A, %swap3A_35] {strides = array<i32>} : memref<64x64xf32, #tpu.memory_space<vmem>>, vector<1x16xf32>,
        %swap3A_37 = vector.shape_cast %swap3A_36 : vector<1x16xf32> to vector<16xf32>
        %swap3A_38 = vector.shape_cast %add3A : vector<16xf32> to vector<1x16xf32>
        tpu.vector_store %arg11[%swap3A, %swap3A_35], %swap3A_38 {strides = array<i32>} : memref<64x64xf32, #tpu.memory_space<vmem>>, vector<1x16xf32>,
        %get3A_39 = arith.index_cast %scan3A_21 : i32 to index
        %get3A_40 = arith.constant 16 : index
        %get3A_41 = tpu.vector_load %arg10[%get3A_39, %get3A_40] {strides = array<i32>} : memref<64x64xf32, #tpu.memory_space<vmem>>, vector<1x16xf32>,
        %get3A_42 = vector.shape_cast %get3A_41 : vector<1x16xf32> to vector<16xf32>
        %mul3A_43 = arith.constant 9.900000e-01 : f32
        %mul3A_44 = vector.broadcast %mul3A_43 : f32 to vector<16xf32>
        %mul3A_45 = arith.mulf %mul3A_44, %get3A_42 : vector<16xf32>
        %get3A_46 = arith.index_cast %scan3A_21 : i32 to index
        %get3A_47 = arith.constant 16 : index
        %get3A_48 = tpu.vector_load %arg9[%get3A_46, %get3A_47] {strides = array<i32>} : memref<64x64xf32, #tpu.memory_space<vmem>>, vector<1x16xf32>,
        %get3A_49 = vector.shape_cast %get3A_48 : vector<1x16xf32> to vector<16xf32>
        %mul3A_50 = arith.constant 0.00999999977 : f32
        %mul3A_51 = vector.broadcast %mul3A_50 : f32 to vector<16xf32>
        %mul3A_52 = arith.mulf %mul3A_51, %get3A_49 : vector<16xf32>
        %add3A_53 = arith.addf %mul3A_45, %mul3A_52 : vector<16xf32>
        %swap3A_54 = arith.index_cast %scan3A_21 : i32 to index
        %swap3A_55 = arith.constant 16 : index
        %swap3A_56 = tpu.vector_load %arg11[%swap3A_54, %swap3A_55] {strides = array<i32>} : memref<64x64xf32, #tpu.memory_space<vmem>>, vector<1x16xf32>,
        %swap3A_57 = vector.shape_cast %swap3A_56 : vector<1x16xf32> to vector<16xf32>
        %swap3A_58 = vector.shape_cast %add3A_53 : vector<16xf32> to vector<1x16xf32>
        tpu.vector_store %arg11[%swap3A_54, %swap3A_55], %swap3A_58 {strides = array<i32>} : memref<64x64xf32, #tpu.memory_space<vmem>>, vector<1x16xf32>,
        %get3A_59 = arith.index_cast %scan3A_21 : i32 to index
        %get3A_60 = arith.constant 32 : index
        %get3A_61 = tpu.vector_load %arg10[%get3A_59, %get3A_60] {strides = array<i32>} : memref<64x64xf32, #tpu.memory_space<vmem>>, vector<1x16xf32>,
        %get3A_62 = vector.shape_cast %get3A_61 : vector<1x16xf32> to vector<16xf32>
        %mul3A_63 = arith.constant 9.900000e-01 : f32
        %mul3A_64 = vector.broadcast %mul3A_63 : f32 to vector<16xf32>
        %mul3A_65 = arith.mulf %mul3A_64, %get3A_62 : vector<16xf32>
        %get3A_66 = arith.index_cast %scan3A_21 : i32 to index
        %get3A_67 = arith.constant 32 : index
        %get3A_68 = tpu.vector_load %arg9[%get3A_66, %get3A_67] {strides = array<i32>} : memref<64x64xf32, #tpu.memory_space<vmem>>, vector<1x16xf32>,
        %get3A_69 = vector.shape_cast %get3A_68 : vector<1x16xf32> to vector<16xf32>
        %mul3A_70 = arith.constant 0.00999999977 : f32
        %mul3A_71 = vector.broadcast %mul3A_70 : f32 to vector<16xf32>
        %mul3A_72 = arith.mulf %mul3A_71, %get3A_69 : vector<16xf32>
        %add3A_73 = arith.addf %mul3A_65, %mul3A_72 : vector<16xf32>
        %swap3A_74 = arith.index_cast %scan3A_21 : i32 to index
        %swap3A_75 = arith.constant 32 : index
        %swap3A_76 = tpu.vector_load %arg11[%swap3A_74, %swap3A_75] {strides = array<i32>} : memref<64x64xf32, #tpu.memory_space<vmem>>, vector<1x16xf32>,
        %swap3A_77 = vector.shape_cast %swap3A_76 : vector<1x16xf32> to vector<16xf32>
        %swap3A_78 = vector.shape_cast %add3A_73 : vector<16xf32> to vector<1x16xf32>
        tpu.vector_store %arg11[%swap3A_74, %swap3A_75], %swap3A_78 {strides = array<i32>} : memref<64x64xf32, #tpu.memory_space<vmem>>, vector<1x16xf32>,
        %get3A_79 = arith.index_cast %scan3A_21 : i32 to index
        %get3A_80 = arith.constant 48 : index
        %get3A_81 = tpu.vector_load %arg10[%get3A_79, %get3A_80] {strides = array<i32>} : memref<64x64xf32, #tpu.memory_space<vmem>>, vector<1x16xf32>,
        %get3A_82 = vector.shape_cast %get3A_81 : vector<1x16xf32> to vector<16xf32>
        %mul3A_83 = arith.constant 9.900000e-01 : f32
        %mul3A_84 = vector.broadcast %mul3A_83 : f32 to vector<16xf32>
        %mul3A_85 = arith.mulf %mul3A_84, %get3A_82 : vector<16xf32>
        %get3A_86 = arith.index_cast %scan3A_21 : i32 to index
        %get3A_87 = arith.constant 48 : index
        %get3A_88 = tpu.vector_load %arg9[%get3A_86, %get3A_87] {strides = array<i32>} : memref<64x64xf32, #tpu.memory_space<vmem>>, vector<1x16xf32>,
        %get3A_89 = vector.shape_cast %get3A_88 : vector<1x16xf32> to vector<16xf32>
        %mul3A_90 = arith.constant 0.00999999977 : f32
        %mul3A_91 = vector.broadcast %mul3A_90 : f32 to vector<16xf32>
        %mul3A_92 = arith.mulf %mul3A_91, %get3A_89 : vector<16xf32>
        %add3A_93 = arith.addf %mul3A_85, %mul3A_92 : vector<16xf32>
        %swap3A_94 = arith.index_cast %scan3A_21 : i32 to index
        %swap3A_95 = arith.constant 48 : index
        %swap3A_96 = tpu.vector_load %arg11[%swap3A_94, %swap3A_95] {strides = array<i32>} : memref<64x64xf32, #tpu.memory_space<vmem>>, vector<1x16xf32>,
        %swap3A_97 = vector.shape_cast %swap3A_96 : vector<1x16xf32> to vector<16xf32>
        %swap3A_98 = vector.shape_cast %add3A_93 : vector<16xf32> to vector<1x16xf32>
        tpu.vector_store %arg11[%swap3A_94, %swap3A_95], %swap3A_98 {strides = array<i32>} : memref<64x64xf32, #tpu.memory_space<vmem>>, vector<1x16xf32>,
      }
      %scan3A_20 = arith.constant 64 : i32
      "tpu.region"() ({
        %run_scoped3A = tpu.sem_alloc : memref<!tpu.dma_semaphore, #tpu.memory_space<semaphore_mem>>
        %dma_start3A = arith.constant 0 : i32
        %dma_start3A_21 = tpu.memref_slice %arg6[%multiple_of3A, %dma_start3A] : memref<1024x64xf32, #tpu.memory_space<hbm>> -> memref<64x64xf32, #tpu.memory_space<hbm>>
        %dma_start3A_22 = arith.constant 0 : i32
        %dma_start3A_23 = tpu.memref_slice %arg6[%multiple_of3A, %dma_start3A_22] : memref<1024x64xf32, #tpu.memory_space<hbm>> -> memref<64x64xf32, #tpu.memory_space<hbm>>
        tpu.enqueue_dma source(%arg11 : memref<64x64xf32, #tpu.memory_space<vmem>>) target(%dma_start3A_23 : memref<64x64xf32, #tpu.memory_space<hbm>>) target_semaphore(%run_scoped3A : memref<!tpu.dma_semaphore, #tpu.memory_space<semaphore_mem>>)
        %dma_wait3A = arith.constant 0 : i32
        %dma_wait3A_24 = tpu.memref_slice %arg6[%multiple_of3A, %dma_wait3A] : memref<1024x64xf32, #tpu.memory_space<hbm>> -> memref<64x64xf32, #tpu.memory_space<hbm>>
        %dma_wait3A_25 = arith.constant 0 : i32
        %dma_wait3A_26 = tpu.memref_slice %arg6[%multiple_of3A, %dma_wait3A_25] : memref<1024x64xf32, #tpu.memory_space<hbm>> -> memref<64x64xf32, #tpu.memory_space<hbm>>
        tpu.wait_dma2 semaphore(%run_scoped3A : memref<!tpu.dma_semaphore, #tpu.memory_space<semaphore_mem>>) src(%arg11 : memref<64x64xf32, #tpu.memory_space<vmem>>) dst(%dma_wait3A_26 : memref<64x64xf32, #tpu.memory_space<hbm>>)
        tpu.yield
      }) : () -> ()
    } else {
    }
    return
  }
}

module attributes {stable_mosaic.version = 14 : i64} {
  func.func @_prelude(%arg0: memref<1024x64xf32, #tpu.memory_space<vmem>>, %arg1: memref<1024x1xf32, #tpu.memory_space<vmem>>, %arg2: memref<256x64xbf16, #tpu.memory_space<vmem>>, %arg3: memref<1x64xf32, #tpu.memory_space<vmem>>, %arg4: memref<1024x64xf32, #tpu.memory_space<vmem>>, %arg5: memref<256x1024xbf16, #tpu.memory_space<vmem>>, %arg6: memref<1x1024xf32, #tpu.memory_space<vmem>>) attributes {dimension_semantics = [], scalar_prefetch = 0 : i64, scratch_operands = 0 : i64, tpu.core_type = #tpu.core_type<tc>} {
    %get3A = arith.constant 0 : index
    %get3A_0 = arith.constant 0 : index
    %get3A_1 = vector.load %arg0[%get3A, %get3A_0] : memref<1024x64xf32, #tpu.memory_space<vmem>>, vector<1024x64xf32>
    %get3A_2 = arith.constant 0 : index
    %get3A_3 = arith.constant 0 : index
    %get3A_4 = vector.load %arg1[%get3A_2, %get3A_3] : memref<1024x1xf32, #tpu.memory_space<vmem>>, vector<1024x1xf32>
    %div3A = vector.broadcast %get3A_4 : vector<1024x1xf32> to vector<1024x64xf32>
    %div3A_5 = arith.divf %get3A_1, %div3A : vector<1024x64xf32>
    %swap3A = arith.constant 0 : index
    %swap3A_6 = arith.constant 0 : index
    %swap3A_7 = vector.load %arg4[%swap3A, %swap3A_6] : memref<1024x64xf32, #tpu.memory_space<vmem>>, vector<1024x64xf32>
    tpu.vector_store %arg4[%swap3A, %swap3A_6], %div3A_5 {strides = array<i32>} : memref<1024x64xf32, #tpu.memory_space<vmem>>, vector<1024x64xf32>,
    %get3A_8 = arith.constant 0 : index
    %get3A_9 = arith.constant 0 : index
    %get3A_10 = vector.load %arg2[%get3A_8, %get3A_9] : memref<256x64xbf16, #tpu.memory_space<vmem>>, vector<256x64xbf16>
    %convert_element_type3A = arith.extf %get3A_10 : vector<256x64xbf16> to vector<256x64xf32>
    %dot_general3A = arith.constant dense<0.000000e+00> : vector<256x1024xf32>
    %dot_general3A_11 = tpu.matmul %convert_element_type3A, %div3A_5, %dot_general3A {dimension_numbers = #tpu.dot_dimension_numbers<[1], [1], [0], [0], [0, 0, 1, 0], [], []>, transpose_lhs_hint = false} : vector<256x64xf32>, vector<1024x64xf32>, vector<256x1024xf32> -> vector<256x1024xf32>
    %mul3A = arith.constant -2.000000e+00 : f32
    %mul3A_12 = vector.broadcast %mul3A : f32 to vector<256x1024xf32>
    %mul3A_13 = arith.mulf %mul3A_12, %dot_general3A_11 : vector<256x1024xf32>
    %convert_element_type3A_14 = arith.truncf %mul3A_13 : vector<256x1024xf32> to vector<256x1024xbf16>
    %swap3A_15 = arith.constant 0 : index
    %swap3A_16 = arith.constant 0 : index
    %swap3A_17 = vector.load %arg5[%swap3A_15, %swap3A_16] : memref<256x1024xbf16, #tpu.memory_space<vmem>>, vector<256x1024xbf16>
    tpu.vector_store %arg5[%swap3A_15, %swap3A_16], %convert_element_type3A_14 {strides = array<i32>} : memref<256x1024xbf16, #tpu.memory_space<vmem>>, vector<256x1024xbf16>,
    %get3A_18 = arith.constant 0 : index
    %get3A_19 = arith.constant 0 : index
    %get3A_20 = vector.load %arg3[%get3A_18, %get3A_19] : memref<1x64xf32, #tpu.memory_space<vmem>>, vector<1x64xf32>
    %mul3A_21 = arith.constant 2.000000e+00 : f32
    %mul3A_22 = vector.broadcast %mul3A_21 : f32 to vector<1x64xf32>
    %mul3A_23 = arith.mulf %mul3A_22, %get3A_20 : vector<1x64xf32>
    %sub3A = vector.broadcast %mul3A_23 : vector<1x64xf32> to vector<1024x64xf32>
    %sub3A_24 = arith.subf %div3A_5, %sub3A : vector<1024x64xf32>
    %mul3A_25 = arith.mulf %div3A_5, %sub3A_24 : vector<1024x64xf32>
    %reduce_sum3A = arith.constant dense<0.000000e+00> : vector<1024xf32>
    %reduce_sum3A_26 = vector.multi_reduction <add>, %mul3A_25, %reduce_sum3A [1] : vector<1024x64xf32> to vector<1024xf32>
    %broadcast_in_dim3A = vector.shape_cast %reduce_sum3A_26 : vector<1024xf32> to vector<1x1024xf32>
    %swap3A_27 = arith.constant 0 : index
    %swap3A_28 = arith.constant 0 : index
    %swap3A_29 = vector.load %arg6[%swap3A_27, %swap3A_28] : memref<1x1024xf32, #tpu.memory_space<vmem>>, vector<1x1024xf32>
    tpu.vector_store %arg6[%swap3A_27, %swap3A_28], %broadcast_in_dim3A {strides = array<i32>} : memref<1x1024xf32, #tpu.memory_space<vmem>>, vector<1x1024xf32>,
    return
  }
}

module attributes {stable_mosaic.version = 14 : i64} {
  func.func @_body(%arg0: i32, %arg1: memref<1024x64xf32, #tpu.memory_space<vmem>>, %arg2: memref<1x1024xf32, #tpu.memory_space<vmem>>, %arg3: memref<64x256xbf16, #tpu.memory_space<vmem>>, %arg4: memref<1x256xf32, #tpu.memory_space<vmem>>, %arg5: memref<256x256xbf16, #tpu.memory_space<vmem>>, %arg6: memref<1x256xf32, #tpu.memory_space<vmem>>, %arg7: memref<256x256xbf16, #tpu.memory_space<vmem>>, %arg8: memref<1x256xf32, #tpu.memory_space<vmem>>, %arg9: memref<256x64xbf16, #tpu.memory_space<vmem>>, %arg10: memref<1x64xf32, #tpu.memory_space<vmem>>, %arg11: memref<256x1024xbf16, #tpu.memory_space<vmem>>, %arg12: memref<1x1024xf32, #tpu.memory_space<vmem>>, %arg13: memref<1024x2xbf16, #tpu.memory_space<vmem>>, %arg14: memref<1024x64xf32, #tpu.memory_space<vmem>>, %arg15: memref<1024x1024xf32, #tpu.memory_space<vmem>>, %arg16: memref<1024x1xi32, #tpu.memory_space<vmem>>, %arg17: memref<1x1024xf32, #tpu.memory_space<vmem>>) attributes {dimension_semantics = [#tpu.dimension_semantics<arbitrary>], iteration_bounds = array<i64: 32>, scalar_prefetch = 0 : i64, scratch_operands = 0 : i64, tpu.core_type = #tpu.core_type<tc>, window_params = [{transform_indices = @transform_0, window_bounds = array<i64: 1024, 64>}, {pipeline_mode = #tpu.pipeline_mode<synchronous>, transform_indices = @transform_1, window_bounds = array<i64: 1, 1024>}, {pipeline_mode = #tpu.pipeline_mode<synchronous>, transform_indices = @transform_2, window_bounds = array<i64: 64, 256>}, {pipeline_mode = #tpu.pipeline_mode<synchronous>, transform_indices = @transform_3, window_bounds = array<i64: 1, 256>}, {pipeline_mode = #tpu.pipeline_mode<synchronous>, transform_indices = @transform_4, window_bounds = array<i64: 256, 256>}, {pipeline_mode = #tpu.pipeline_mode<synchronous>, transform_indices = @transform_5, window_bounds = array<i64: 1, 256>}, {pipeline_mode = #tpu.pipeline_mode<synchronous>, transform_indices = @transform_6, window_bounds = array<i64: 256, 256>}, {pipeline_mode = #tpu.pipeline_mode<synchronous>, transform_indices = @transform_7, window_bounds = array<i64: 1, 256>}, {pipeline_mode = #tpu.pipeline_mode<synchronous>, transform_indices = @transform_8, window_bounds = array<i64: 256, 64>}, {pipeline_mode = #tpu.pipeline_mode<synchronous>, transform_indices = @transform_9, window_bounds = array<i64: 1, 64>}, {pipeline_mode = #tpu.pipeline_mode<synchronous>, transform_indices = @transform_10, window_bounds = array<i64: 256, 1024>}, {pipeline_mode = #tpu.pipeline_mode<synchronous>, transform_indices = @transform_11, window_bounds = array<i64: 1, 1024>}, {pipeline_mode = #tpu.pipeline_mode<synchronous>, transform_indices = @transform_12, window_bounds = array<i64: 1024, 2>}, {transform_indices = @transform_13, window_bounds = array<i64: 1024, 64>}, {transform_indices = @transform_14, window_bounds = array<i64: 1024, 1024>}, {transform_indices = @transform_15, window_bounds = array<i64: 1024, 1>}, {pipeline_mode = #tpu.pipeline_mode<synchronous>, transform_indices = @transform_16, window_bounds = array<i64: 1, 1024>}]} {
    %eq3A = arith.constant 0 : i32
    %eq3A_0 = arith.cmpi eq, %arg0, %eq3A : i32
    %convert_element_type3A = arith.extui %eq3A_0 : i1 to i32
    %cond3A = arith.constant 0 : i32
    %cond3A_1 = arith.cmpi ne, %convert_element_type3A, %cond3A : i32
    scf.if %cond3A_1 {
      %get3A_94 = arith.constant 0 : index
      %get3A_95 = arith.constant 0 : index
      %get3A_96 = vector.load %arg2[%get3A_94, %get3A_95] : memref<1x1024xf32, #tpu.memory_space<vmem>>, vector<1x1024xf32>
      %mul3A_97 = arith.constant 9.900000e-01 : f32
      %mul3A_98 = vector.broadcast %mul3A_97 : f32 to vector<1x1024xf32>
      %mul3A_99 = arith.mulf %mul3A_98, %get3A_96 : vector<1x1024xf32>
      %swap3A_100 = arith.constant 0 : index
      %swap3A_101 = arith.constant 0 : index
      %swap3A_102 = vector.load %arg17[%swap3A_100, %swap3A_101] : memref<1x1024xf32, #tpu.memory_space<vmem>>, vector<1x1024xf32>
      tpu.vector_store %arg17[%swap3A_100, %swap3A_101], %mul3A_99 {strides = array<i32>} : memref<1x1024xf32, #tpu.memory_space<vmem>>, vector<1x1024xf32>,
    } else {
    }
    %get3A = arith.constant 0 : index
    %get3A_2 = arith.constant 0 : index
    %get3A_3 = vector.load %arg1[%get3A, %get3A_2] : memref<1024x64xf32, #tpu.memory_space<vmem>>, vector<1024x64xf32>
    %convert_element_type3A_4 = arith.truncf %get3A_3 : vector<1024x64xf32> to vector<1024x64xbf16>
    %get3A_5 = arith.constant 0 : index
    %get3A_6 = arith.constant 0 : index
    %get3A_7 = vector.load %arg3[%get3A_5, %get3A_6] : memref<64x256xbf16, #tpu.memory_space<vmem>>, vector<64x256xbf16>
    %dot_general3A = arith.constant dense<0.000000e+00> : vector<1024x256xf32>
    %dot_general3A_8 = tpu.matmul %convert_element_type3A_4, %get3A_7, %dot_general3A {dimension_numbers = #tpu.dot_dimension_numbers<[1], [0], [0], [1], [0, 0, 1, 1], [], []>, transpose_lhs_hint = false} : vector<1024x64xbf16>, vector<64x256xbf16>, vector<1024x256xf32> -> vector<1024x256xf32>
    %get3A_9 = arith.constant 0 : index
    %get3A_10 = arith.constant 0 : index
    %get3A_11 = vector.load %arg4[%get3A_9, %get3A_10] : memref<1x256xf32, #tpu.memory_space<vmem>>, vector<1x256xf32>
    %add3A = vector.broadcast %get3A_11 : vector<1x256xf32> to vector<1024x256xf32>
    %add3A_12 = arith.addf %dot_general3A_8, %add3A : vector<1024x256xf32>
    %tanh3A = math.tanh %add3A_12 : vector<1024x256xf32>
    %convert_element_type3A_13 = arith.truncf %tanh3A : vector<1024x256xf32> to vector<1024x256xbf16>
    %get3A_14 = arith.constant 0 : index
    %get3A_15 = arith.constant 0 : index
    %get3A_16 = vector.load %arg5[%get3A_14, %get3A_15] : memref<256x256xbf16, #tpu.memory_space<vmem>>, vector<256x256xbf16>
    %dot_general3A_17 = arith.constant dense<0.000000e+00> : vector<1024x256xf32>
    %dot_general3A_18 = tpu.matmul %convert_element_type3A_13, %get3A_16, %dot_general3A_17 {dimension_numbers = #tpu.dot_dimension_numbers<[1], [0], [0], [1], [0, 0, 1, 1], [], []>, transpose_lhs_hint = false} : vector<1024x256xbf16>, vector<256x256xbf16>, vector<1024x256xf32> -> vector<1024x256xf32>
    %get3A_19 = arith.constant 0 : index
    %get3A_20 = arith.constant 0 : index
    %get3A_21 = vector.load %arg6[%get3A_19, %get3A_20] : memref<1x256xf32, #tpu.memory_space<vmem>>, vector<1x256xf32>
    %add3A_22 = vector.broadcast %get3A_21 : vector<1x256xf32> to vector<1024x256xf32>
    %add3A_23 = arith.addf %dot_general3A_18, %add3A_22 : vector<1024x256xf32>
    %tanh3A_24 = math.tanh %add3A_23 : vector<1024x256xf32>
    %convert_element_type3A_25 = arith.truncf %tanh3A_24 : vector<1024x256xf32> to vector<1024x256xbf16>
    %get3A_26 = arith.constant 0 : index
    %get3A_27 = arith.constant 0 : index
    %get3A_28 = vector.load %arg7[%get3A_26, %get3A_27] : memref<256x256xbf16, #tpu.memory_space<vmem>>, vector<256x256xbf16>
    %dot_general3A_29 = arith.constant dense<0.000000e+00> : vector<1024x256xf32>
    %dot_general3A_30 = tpu.matmul %convert_element_type3A_25, %get3A_28, %dot_general3A_29 {dimension_numbers = #tpu.dot_dimension_numbers<[1], [0], [0], [1], [0, 0, 1, 1], [], []>, transpose_lhs_hint = false} : vector<1024x256xbf16>, vector<256x256xbf16>, vector<1024x256xf32> -> vector<1024x256xf32>
    %get3A_31 = arith.constant 0 : index
    %get3A_32 = arith.constant 0 : index
    %get3A_33 = vector.load %arg8[%get3A_31, %get3A_32] : memref<1x256xf32, #tpu.memory_space<vmem>>, vector<1x256xf32>
    %add3A_34 = vector.broadcast %get3A_33 : vector<1x256xf32> to vector<1024x256xf32>
    %add3A_35 = arith.addf %dot_general3A_30, %add3A_34 : vector<1024x256xf32>
    %tanh3A_36 = math.tanh %add3A_35 : vector<1024x256xf32>
    %convert_element_type3A_37 = arith.truncf %tanh3A_36 : vector<1024x256xf32> to vector<1024x256xbf16>
    %get3A_38 = arith.constant 0 : index
    %get3A_39 = arith.constant 0 : index
    %get3A_40 = vector.load %arg9[%get3A_38, %get3A_39] : memref<256x64xbf16, #tpu.memory_space<vmem>>, vector<256x64xbf16>
    %dot_general3A_41 = arith.constant dense<0.000000e+00> : vector<1024x64xf32>
    %dot_general3A_42 = tpu.matmul %convert_element_type3A_37, %get3A_40, %dot_general3A_41 {dimension_numbers = #tpu.dot_dimension_numbers<[1], [0], [0], [1], [0, 0, 1, 1], [], []>, transpose_lhs_hint = false} : vector<1024x256xbf16>, vector<256x64xbf16>, vector<1024x64xf32> -> vector<1024x64xf32>
    %get3A_43 = arith.constant 0 : index
    %get3A_44 = arith.constant 0 : index
    %get3A_45 = vector.load %arg10[%get3A_43, %get3A_44] : memref<1x64xf32, #tpu.memory_space<vmem>>, vector<1x64xf32>
    %add3A_46 = vector.broadcast %get3A_45 : vector<1x64xf32> to vector<1024x64xf32>
    %add3A_47 = arith.addf %dot_general3A_42, %add3A_46 : vector<1024x64xf32>
    %swap3A = arith.constant 0 : index
    %swap3A_48 = arith.constant 0 : index
    %swap3A_49 = vector.load %arg14[%swap3A, %swap3A_48] : memref<1024x64xf32, #tpu.memory_space<vmem>>, vector<1024x64xf32>
    tpu.vector_store %arg14[%swap3A, %swap3A_48], %add3A_47 {strides = array<i32>} : memref<1024x64xf32, #tpu.memory_space<vmem>>, vector<1024x64xf32>,
    %get3A_50 = arith.constant 0 : index
    %get3A_51 = arith.constant 0 : index
    %get3A_52 = vector.load %arg11[%get3A_50, %get3A_51] : memref<256x1024xbf16, #tpu.memory_space<vmem>>, vector<256x1024xbf16>
    %dot_general3A_53 = arith.constant dense<0.000000e+00> : vector<1024x1024xf32>
    %dot_general3A_54 = tpu.matmul %convert_element_type3A_37, %get3A_52, %dot_general3A_53 {dimension_numbers = #tpu.dot_dimension_numbers<[1], [0], [0], [1], [0, 0, 1, 1], [], []>, transpose_lhs_hint = false} : vector<1024x256xbf16>, vector<256x1024xbf16>, vector<1024x1024xf32> -> vector<1024x1024xf32>
    %get3A_55 = arith.constant 0 : index
    %get3A_56 = arith.constant 0 : index
    %get3A_57 = vector.load %arg12[%get3A_55, %get3A_56] : memref<1x1024xf32, #tpu.memory_space<vmem>>, vector<1x1024xf32>
    %add3A_58 = vector.broadcast %get3A_57 : vector<1x1024xf32> to vector<1024x1024xf32>
    %add3A_59 = arith.addf %dot_general3A_54, %add3A_58 : vector<1024x1024xf32>
    %reduce_min3A = arith.constant dense<0x7F800000> : vector<1024xf32>
    %reduce_min3A_60 = vector.multi_reduction <minimumf>, %add3A_59, %reduce_min3A [1] : vector<1024x1024xf32> to vector<1024xf32>
    %broadcast_in_dim3A = vector.shape_cast %reduce_min3A_60 : vector<1024xf32> to vector<1024x1xf32>
    %le3A = vector.broadcast %broadcast_in_dim3A : vector<1024x1xf32> to vector<1024x1024xf32>
    %le3A_61 = arith.cmpf ole, %add3A_59, %le3A : vector<1024x1024xf32>
    %jit3A = arith.constant 1.000000e+00 : f32
    %jit3A_62 = arith.constant 0.000000e+00 : f32
    %broadcast_in_dim3A_63 = vector.broadcast %jit3A : f32 to vector<1024x1024xf32>
    %broadcast_in_dim3A_64 = vector.broadcast %jit3A_62 : f32 to vector<1024x1024xf32>
    %select_n3A = arith.select %le3A_61, %broadcast_in_dim3A_63, %broadcast_in_dim3A_64 : vector<1024x1024xi1>, vector<1024x1024xf32>
    %swap3A_65 = arith.constant 0 : index
    %swap3A_66 = arith.constant 0 : index
    %swap3A_67 = vector.load %arg15[%swap3A_65, %swap3A_66] : memref<1024x1024xf32, #tpu.memory_space<vmem>>, vector<1024x1024xf32>
    tpu.vector_store %arg15[%swap3A_65, %swap3A_66], %select_n3A {strides = array<i32>} : memref<1024x1024xf32, #tpu.memory_space<vmem>>, vector<1024x1024xf32>,
    %convert_element_type3A_68 = arith.truncf %select_n3A : vector<1024x1024xf32> to vector<1024x1024xbf16>
    %get3A_69 = arith.constant 0 : index
    %get3A_70 = arith.constant 0 : index
    %get3A_71 = vector.load %arg13[%get3A_69, %get3A_70] : memref<1024x2xbf16, #tpu.memory_space<vmem>>, vector<1024x2xbf16>
    %dot_general3A_72 = arith.constant dense<0.000000e+00> : vector<1024x2xf32>
    %dot_general3A_73 = tpu.matmul %convert_element_type3A_68, %get3A_71, %dot_general3A_72 {dimension_numbers = #tpu.dot_dimension_numbers<[1], [0], [0], [1], [0, 0, 1, 1], [], []>, transpose_lhs_hint = false} : vector<1024x1024xbf16>, vector<1024x2xbf16>, vector<1024x2xf32> -> vector<1024x2xf32>
    %slice3A = vector.extract_strided_slice %dot_general3A_73 {offsets = [0, 0], sizes = [1024, 1], strides = [1, 1]} : vector<1024x2xf32> to vector<1024x1xf32>
    %mul3A = arith.constant 3.200000e+01 : f32
    %mul3A_74 = vector.broadcast %mul3A : f32 to vector<1024x1xf32>
    %mul3A_75 = arith.mulf %mul3A_74, %slice3A : vector<1024x1xf32>
    %slice3A_76 = vector.extract_strided_slice %dot_general3A_73 {offsets = [0, 1], sizes = [1024, 1], strides = [1, 1]} : vector<1024x2xf32> to vector<1024x1xf32>
    %add3A_77 = arith.addf %mul3A_75, %slice3A_76 : vector<1024x1xf32>
    %convert_element_type3A_78 = arith.fptosi %add3A_77 : vector<1024x1xf32> to vector<1024x1xi32>
    %swap3A_79 = arith.constant 0 : index
    %swap3A_80 = arith.constant 0 : index
    %swap3A_81 = vector.load %arg16[%swap3A_79, %swap3A_80] : memref<1024x1xi32, #tpu.memory_space<vmem>>, vector<1024x1xi32>
    tpu.vector_store %arg16[%swap3A_79, %swap3A_80], %convert_element_type3A_78 {strides = array<i32>} : memref<1024x1xi32, #tpu.memory_space<vmem>>, vector<1024x1xi32>,
    %get3A_82 = arith.constant 0 : index
    %get3A_83 = arith.constant 0 : index
    %get3A_84 = vector.load %arg17[%get3A_82, %get3A_83] : memref<1x1024xf32, #tpu.memory_space<vmem>>, vector<1x1024xf32>
    %reduce_sum3A = arith.constant dense<0.000000e+00> : vector<1024xf32>
    %reduce_sum3A_85 = vector.multi_reduction <add>, %select_n3A, %reduce_sum3A [0] : vector<1024x1024xf32> to vector<1024xf32>
    %broadcast_in_dim3A_86 = vector.shape_cast %reduce_sum3A_85 : vector<1024xf32> to vector<1x1024xf32>
    %mul3A_87 = arith.constant 0.00999999977 : f32
    %mul3A_88 = vector.broadcast %mul3A_87 : f32 to vector<1x1024xf32>
    %mul3A_89 = arith.mulf %mul3A_88, %broadcast_in_dim3A_86 : vector<1x1024xf32>
    %add3A_90 = arith.addf %get3A_84, %mul3A_89 : vector<1x1024xf32>
    %swap3A_91 = arith.constant 0 : index
    %swap3A_92 = arith.constant 0 : index
    %swap3A_93 = vector.load %arg17[%swap3A_91, %swap3A_92] : memref<1x1024xf32, #tpu.memory_space<vmem>>, vector<1x1024xf32>
    tpu.vector_store %arg17[%swap3A_91, %swap3A_92], %add3A_90 {strides = array<i32>} : memref<1x1024xf32, #tpu.memory_space<vmem>>, vector<1x1024xf32>,
    return
  }
  func.func @transform_0(%arg0: i32) -> (i32, i32) {
    %c0_i32 = arith.constant 0 : i32
    %c0_i32_0 = arith.constant 0 : i32
    return %arg0, %c0_i32 : i32, i32
  }
  func.func @transform_1(%arg0: i32) -> (i32, i32) {
    %c0_i32 = arith.constant 0 : i32
    %c0_i32_0 = arith.constant 0 : i32
    %c0_i32_1 = arith.constant 0 : i32
    return %c0_i32, %c0_i32_0 : i32, i32
  }
  func.func @transform_2(%arg0: i32) -> (i32, i32) {
    %c0_i32 = arith.constant 0 : i32
    %c0_i32_0 = arith.constant 0 : i32
    %c0_i32_1 = arith.constant 0 : i32
    return %c0_i32, %c0_i32_0 : i32, i32
  }
  func.func @transform_3(%arg0: i32) -> (i32, i32) {
    %c0_i32 = arith.constant 0 : i32
    %c0_i32_0 = arith.constant 0 : i32
    %c0_i32_1 = arith.constant 0 : i32
    return %c0_i32, %c0_i32_0 : i32, i32
  }
  func.func @transform_4(%arg0: i32) -> (i32, i32) {
    %c0_i32 = arith.constant 0 : i32
    %c0_i32_0 = arith.constant 0 : i32
    %c0_i32_1 = arith.constant 0 : i32
    return %c0_i32, %c0_i32_0 : i32, i32
  }
  func.func @transform_5(%arg0: i32) -> (i32, i32) {
    %c0_i32 = arith.constant 0 : i32
    %c0_i32_0 = arith.constant 0 : i32
    %c0_i32_1 = arith.constant 0 : i32
    return %c0_i32, %c0_i32_0 : i32, i32
  }
  func.func @transform_6(%arg0: i32) -> (i32, i32) {
    %c0_i32 = arith.constant 0 : i32
    %c0_i32_0 = arith.constant 0 : i32
    %c0_i32_1 = arith.constant 0 : i32
    return %c0_i32, %c0_i32_0 : i32, i32
  }
  func.func @transform_7(%arg0: i32) -> (i32, i32) {
    %c0_i32 = arith.constant 0 : i32
    %c0_i32_0 = arith.constant 0 : i32
    %c0_i32_1 = arith.constant 0 : i32
    return %c0_i32, %c0_i32_0 : i32, i32
  }
  func.func @transform_8(%arg0: i32) -> (i32, i32) {
    %c0_i32 = arith.constant 0 : i32
    %c0_i32_0 = arith.constant 0 : i32
    %c0_i32_1 = arith.constant 0 : i32
    return %c0_i32, %c0_i32_0 : i32, i32
  }
  func.func @transform_9(%arg0: i32) -> (i32, i32) {
    %c0_i32 = arith.constant 0 : i32
    %c0_i32_0 = arith.constant 0 : i32
    %c0_i32_1 = arith.constant 0 : i32
    return %c0_i32, %c0_i32_0 : i32, i32
  }
  func.func @transform_10(%arg0: i32) -> (i32, i32) {
    %c0_i32 = arith.constant 0 : i32
    %c0_i32_0 = arith.constant 0 : i32
    %c0_i32_1 = arith.constant 0 : i32
    return %c0_i32, %c0_i32_0 : i32, i32
  }
  func.func @transform_11(%arg0: i32) -> (i32, i32) {
    %c0_i32 = arith.constant 0 : i32
    %c0_i32_0 = arith.constant 0 : i32
    %c0_i32_1 = arith.constant 0 : i32
    return %c0_i32, %c0_i32_0 : i32, i32
  }
  func.func @transform_12(%arg0: i32) -> (i32, i32) {
    %c0_i32 = arith.constant 0 : i32
    %c0_i32_0 = arith.constant 0 : i32
    %c0_i32_1 = arith.constant 0 : i32
    return %c0_i32, %c0_i32_0 : i32, i32
  }
  func.func @transform_13(%arg0: i32) -> (i32, i32) {
    %c0_i32 = arith.constant 0 : i32
    %c0_i32_0 = arith.constant 0 : i32
    return %arg0, %c0_i32 : i32, i32
  }
  func.func @transform_14(%arg0: i32) -> (i32, i32) {
    %c0_i32 = arith.constant 0 : i32
    %c0_i32_0 = arith.constant 0 : i32
    return %arg0, %c0_i32 : i32, i32
  }
  func.func @transform_15(%arg0: i32) -> (i32, i32) {
    %c0_i32 = arith.constant 0 : i32
    %c0_i32_0 = arith.constant 0 : i32
    return %arg0, %c0_i32 : i32, i32
  }
  func.func @transform_16(%arg0: i32) -> (i32, i32) {
    %c0_i32 = arith.constant 0 : i32
    %c0_i32_0 = arith.constant 0 : i32
    %c0_i32_1 = arith.constant 0 : i32
    return %c0_i32, %c0_i32_0 : i32, i32
  }
}

</mosaic_0001>

<sc_bundles>
// kernel: kernel.5.cloned.1.call-start
scs
__scs_entry_jumppad:
0x0: {  	(pc) =	sbr.rel $0x88, $3  }
0x1: {  	(tag) =	ssettag $0x0;
	lr =	simm.s32 $0x1  }
0x2: {  	[smem:$0x3F96] =	sst lr;
	_ =	strace $0xD0000000  }
0x3: {  	_ = 	snop  }
0x4: {  	_ = 	snop  }
0x5: {  	_ = 	snop  }
0x6: {  	_ = 	snop  }
0x7: {  	_ = 	snop  }
__scs_overlays_trampoline_lowered:
0x8: {  	[smem:$0x3FA5] =	sst s0  }
0x9: {  	[smem:$0x3FA6] =	sst s1  }
0xa: {  	[smem:$0x3FA7] =	sst s2  }
0xb: {  	[smem:$0x3FA8] =	sst s3  }
0xc: {  	[smem:$0x3FA9] =	sst s4  }
0xd: {  	[smem:$0x3FAA] =	sst s5  }
0xe: {  	[smem:$0x3FAB] =	sst s6  }
0xf: {  	[smem:$0x3FAC] =	sst s7  }
0x10: {  	[smem:$0x3FAD] =	sst s8  }
0x11: {  	[smem:$0x3FAE] =	sst s9;
	s0 =	simm.s32 @!p0 $0x0  }
0x12: {  	s1 =	sld [smem:$0x3F94];
	s0 =	simm.s32 @p0 $0x1  }
0x13: {  	[smem:$0x3FAF] =	sst s0;
	s0 =	simm.s32 @!p1 $0x0  }
0x14: {  	s2 =	sld [smem:$0x3F93];
	s0 =	simm.s32 @p1 $0x1  }
0x15: {  	[smem:$0x3FB0] =	sst s0;
	s0 =	simm.s32 @!p2 $0x0  }
0x16: {  	s3 =	sld [smem:$0x3FDB];
	s0 =	simm.s32 @p2 $0x1  }
0x17: {  	s4 =	simm.s32 $0x1BF5;
	[smem:$0x3FB2] =	sst s0  }
0x18: {  	s0 =	sld [smem:$0x3F95];
	_ =	swait.ge [sflag:s4], $0x0  }
0x19: {  	s7 =	sld [smem:$0x3F96]  }
0x1a: {  	s8 =	sadd.s32 $0xFFFFE003, lr  }
0x1b: {  	s9 =	sadd.s32 $0xFFFFFEF7, lr;
	s5 =	simm.s32 $0xFFFFFFFF;
	p2 =	slt.u32 s8, $0xFFFFF086  }
0x1c: {  	p1 =	slt.u32 s9, $0xF7A;
	s5 =	simm.s32 @!p2 $0x0  }
0x1d: {  	s5 =	simm.s32 @p1 $0x1;
	p0 =	seq.s32 s7, s2  }
0x1e: {  	s7 =	smul.u32 @!p0 $0xF7A, s2;
	p2 =	seq.s32 @!p0 s5, $0x0  }
0x1f: {  	s9 =	smul.u32 $0xF7A, s1;
	s8 =	simm.s32 @!p0 $0x1BF5;
	p2 =	por !p2, p0  }
0x20: {  	[sflag:s8] =	ssyncset.s32 @!p0 $0xFFFFF086;
	s6 =	sadd.s32 @!p0 s3, s7;
	s7 =	simm.s32 @!p0 $0x108  }
0x21: {  	s3 =	sadd.s32 s3, s9;
	s6 =	sadd.s32 @!p0 $0x88, s6;
	s7 =	simm.s32 @p2 $0x1082  }
0x22: {  	[simem:s7], [sflag:s8] =	dma.local @!p0 [hbm:s6], $0xF7A  }
0x23: {  	s9 =	sor.u32 $0xD0000000, s2;
	s6 =	simm.s32 $0x108;
	_ =	swait.ge @!p0 [sflag:s8], $0x0  }
0x24: {  	s3 =	sadd.s32 $0x88, s3;
	s6 =	simm.s32 @!p1 $0x1082;
	[sflag:s4] =	ssyncset.s32 $0xFFFFF086  }
0x25: {  	[simem:s6], [sflag:s4] =	dma.local [hbm:s3], $0xF7A  }
0x26: {  	[smem:$0x3F96] =	sst s1;
	(tag) =	ssettag s2;
	_ =	strace s9  }
0x27: {  	s1 =	sld [smem:$0x3FA6]  }
0x28: {  	s2 =	sld [smem:$0x3FA7]  }
0x29: {  	s4 =	sld [smem:$0x3FA9]  }
0x2a: {  	p0 =	seq.s32 s5, $0x0;
	s5 =	sld [smem:$0x3FAA]  }
0x2b: {  	s6 =	sld [smem:$0x3FAB]  }
0x2c: {  	s7 =	sld [smem:$0x3FAC]  }
0x2d: {  	s3 =	simm.s32 $0x108;
	s8 =	sld [smem:$0x3FAD]  }
0x2e: {  	s3 =	simm.s32 @!p0 $0x1082;
	s9 =	sld [smem:$0x3FAE]  }
0x2f: {  	lr =	sadd.s32 s0, s3;
	s0 =	sld [smem:$0x3FA5]  }
0x30: {  	s3 =	sld [smem:$0x3FA8]  }
0x31: {  	[smem:$0x3FB1] =	sst s10  }
0x32: {  	s10 =	sld [smem:$0x3FAF];
	_ =	sdelay $0x3  }
0x33: {  	p0 =	seq.s32 s10, $0x1;
	s10 =	sld [smem:$0x3FB1];
	_ =	sdelay $0x3  }
0x34: {  	[smem:$0x3FB1] =	sst s10  }
0x35: {  	s10 =	sld [smem:$0x3FB0];
	_ =	sdelay $0x3  }
0x36: {  	p1 =	seq.s32 s10, $0x1;
	s10 =	sld [smem:$0x3FB1];
	_ =	sdelay $0x3  }
0x37: {  	[smem:$0x3FB1] =	sst s10  }
0x38: {  	s10 =	sld [smem:$0x3FB2]  }
0x39: {  	_ = 	snop;
	(pc) =	sbr.ind lr, $3  }
0x3a: {  	_ = 	snop  }
0x3b: {  	_ = 	snop  }
0x3c: {  	p2 =	seq.s32 s10, $0x1;
	s10 =	sld [smem:$0x3FB1]  }
0x3d: {  	_ =	shalt  }
0x3e: {  	_ =	shalt  }
0x3f: {  	_ =	shalt  }
0x40: {  	_ =	shalt  }
0x41: {  	_ =	shalt  }
0x42: {  	_ =	shalt  }
0x43: {  	_ =	shalt  }
0x44: {  	_ =	shalt  }
0x45: {  	_ =	shalt  }
0x46: {  	_ =	shalt  }
0x47: {  	_ =	shalt  }
0x48: {  	_ =	shalt  }
0x49: {  	_ =	shalt  }
0x4a: {  	_ =	shalt  }
0x4b: {  	_ =	shalt  }
0x4c: {  	_ =	shalt  }
0x4d: {  	_ =	shalt  }
0x4e: {  	_ =	shalt  }
0x4f: {  	_ =	shalt  }
0x50: {  	_ =	shalt  }
0x51: {  	_ =	shalt  }
0x52: {  	_ =	shalt  }
0x53: {  	_ =	shalt  }
0x54: {  	_ =	shalt  }
0x55: {  	_ =	shalt  }
0x56: {  	_ =	shalt  }
0x57: {  	_ =	shalt  }
0x58: {  	_ =	shalt  }
0x59: {  	_ =	shalt  }
0x5a: {  	_ =	shalt  }
0x5b: {  	_ =	shalt  }
0x5c: {  	_ =	shalt  }
0x5d: {  	_ =	shalt  }
0x5e: {  	_ =	shalt  }
0x5f: {  	_ =	shalt  }
0x60: {  	_ =	shalt  }
0x61: {  	_ =	shalt  }
0x62: {  	_ =	shalt  }
0x63: {  	_ =	shalt  }
0x64: {  	_ =	shalt  }
0x65: {  	_ =	shalt  }
0x66: {  	_ =	shalt  }
0x67: {  	_ =	shalt  }
0x68: {  	_ =	shalt  }
0x69: {  	_ =	shalt  }
0x6a: {  	_ =	shalt  }
0x6b: {  	_ =	shalt  }
0x6c: {  	_ =	shalt  }
0x6d: {  	_ =	shalt  }
0x6e: {  	_ =	shalt  }
0x6f: {  	_ =	shalt  }
0x70: {  	_ =	shalt  }
0x71: {  	_ =	shalt  }
0x72: {  	_ =	shalt  }
0x73: {  	_ =	shalt  }
0x74: {  	_ =	shalt  }
0x75: {  	_ =	shalt  }
0x76: {  	_ =	shalt  }
0x77: {  	_ =	shalt  }
0x78: {  	_ =	shalt  }
0x79: {  	_ =	shalt  }
0x7a: {  	_ =	shalt  }
0x7b: {  	_ =	shalt  }
0x7c: {  	_ =	shalt  }
0x7d: {  	_ =	shalt  }
0x7e: {  	_ =	shalt  }
0x7f: {  	_ =	shalt  }
0x80: {  	_ =	shalt  }
0x81: {  	_ =	shalt  }
0x82: {  	_ =	shalt  }
0x83: {  	_ =	shalt  }
0x84: {  	_ =	shalt  }
0x85: {  	_ =	shalt  }
0x86: {  	_ =	shalt  }
0x87: {  	_ =	shalt  }
.Lfunc_end0:
.L_simem_size_0:
called_computation_lowered:
.L_overlay_start_0:
0x88: {  	s2 =	sld [smem:$0x3FD9]  }
0x89: {  	s3 =	sld [smem:$0x3FFE];
	_ =	sdelay $0x1  }
0x8a: {  	s1 =	srdreg.scid  }
0x8b: {  	s0 =	sand.u32 $0x1, s1  }
0x8c: {  	s14 =	sshll.u32 s0, $0xA;
	s2 =	sadd.s32 s3, s2  }
0x8d: {  	s2 =	sadd.s32 s2, s14  }
0x8e: {  	[smem:$0x3FBD] =	sst s2  }
0x8f: {  	_ = 	snop  }
0x90: {  	s2 =	sld [smem:$0x3FD0];
	_ =	sdelay $0x2  }
0x91: {  	s15 =	simm.s32 $0xA;
	s4 =	simm.s32 $0x10  }
0x92: {  	[smem:s4], [sflag:s15] =	dma.local [hbm:s2], $0x1  }
0x93: {  	_ =	swait.eq [sflag:s15], $0x1  }
0x94: {  	[sflag:s15] =	ssyncset.done $0x0  }
0x95: {  	s16 =	sld [smem:$0x11];
	[sflag:s15] =	ssyncadd.s32 $0xFFFFFFFF  }
0x96: {  	s17 =	sld [smem:$0x13];
	(tm) =	ssettm $0x1  }
0x97: {  	s18 =	sld [smem:$0x3FFB];
	_ =	sdelay $0x3  }
0x98: {  	_ =	strace s18  }
0x99: {  	s4 =	sld [smem:$0x3FFC];
	_ =	sdelay $0x3  }
0x9a: {  	_ =	strace s4  }
0x9b: {  	s4 =	sld [smem:$0x3FFD];
	_ =	sdelay $0x3  }
0x9c: {  	_ =	strace s4  }
0x9d: {  	_ =	strace $0x8FFFFFFF  }
0x9e: {  	s19 =	sld [smem:$0x3FDB];
	_ =	sdelay $0x1  }
0x9f: {  	s5 =	simm.s32 $_scs_section_size  }
0xa0: {  	s6 =	simm.s32 $_size__tile_overlayer_lowered;
	s7 =	simm.s32 $_tile_overlayer_lowered  }
0xa1: {  	s22 =	simm.s32 $0x1BFF;
	s21 =	sshll.u32 s7, $0x1;
	s4 =	sadd.s32 s5, s19  }
0xa2: {  	s8 =	simm.s32 $0x0;
	s20 =	sshll.u32 s6, $0x1;
	s6 =	sadd.s32 s21, s4  }
0xa3: {  	[timem:s8], [sflag:s22] =	dma.local [hbm:s6], s20  }
0xa4: {  	_ =	swait.ge [sflag:s22], s20  }
0xa5: {  	s5 =	ssub.s32 $0x0, s20;
	[sflag:s22] =	ssyncset.done $0x0  }
0xa6: {  	[sflag:s22] =	ssyncadd.s32 s5;
	_ =	sdelay $0x1  }
0xa7: {  	s23 =	simm.s32 $0x1B8B  }
0xa8: {  	_ =	swait.ge [sflag:s23], $0x1  }
0xa9: {  	[sflag:s23] =	ssyncset.done $0x0  }
0xaa: {  	s25 =	simm.s32 $0x1B8E;
	s24 =	sld [smem:$0x3FFE];
	[sflag:s23] =	ssyncadd.s32 $0xFFFFFFFF  }
0xab: {  	s26 =	simm.s32 $execute0_lowered;
	[smem:$0x3FD2] =	sst s25  }
0xac: {  	s6 =	sshll.u32 s26, $0x1;
	_ =	strace $0x80000046;
	[dreg:$0x1] =	wrdreg $0xFFFFFFFF  }
0xad: {  	s28 =	simm.s32 $_size_execute0_lowered;
	s4 =	sadd.s32 s4, s6;
	[dreg:$0x0] =	wrdreg $0x0  }
0xae: {  	s6 =	sshll.u32 s28, $0x1;
	[dreg:$0x2] =	wrdreg s4  }
0xaf: {  	[dreg:$0x3] =	wrdreg s6  }
0xb0: {  	[dreg:$0x4] =	wrdreg $0xC0  }
0xb1: {  	_ =	task [dreg:s8], $0x5FFFF  }
0xb2: {  	[dreg:$0x1] =	wrdreg $0xFFFFFFFF  }
0xb3: {  	[dreg:$0x0] =	wrdreg $0x60  }
0xb4: {  	[dreg:$0x2] =	wrdreg s17  }
0xb5: {  	[dreg:$0x3] =	wrdreg s16  }
0xb6: {  	[dreg:$0x4] =	wrdreg s24  }
0xb7: {  	[dreg:$0x5] =	wrdreg $0x160800  }
0xb8: {  	[dreg:$0x6] =	wrdreg $0x9  }
0xb9: {  	_ =	task.clear_ibuf [dreg:s8], $0x7FFFF;
	_ =	strace $0x90000046  }
0xba: {  	s29 =	simm.s32 $0x9;
	_ =	strace $0x80000048  }
0xbb: {  	_ =	swait.ge [sflag:s29], $0x1  }
0xbc: {  	[sflag:s29] =	ssyncadd.s32 $0xFFFFFFFF  }
0xbd: {  	_ =	strace $0x90000048  }
0xbe: {  	_ =	sfence  }
0xbf: {  	s30 =	sld [smem:$0x0];
	_ =	sdelay $0x2  }
0xc0: {  	s31 =	sshll.u32 s1, $0xD;
	s1 =	sshrl.u32 s1, $0x2  }
0xc1: {  	s3 =	sand.u32 $0x4000, s31;
	s1 =	sadd.s32 s1, s30  }
0xc2: {  	s0 =	sor.u32 s3, s0;
	s1 =	sshll.u32 s1, $0x11  }
0xc3: {  	s0 =	sor.u32 s1, s0  }
0xc4: {  	s0 =	sadd.s32 $0x8F2B, s0  }
0xc5: {  	[sflag:s0] =	ssyncadd.remote.s32 $0x1  }
0xc6: {  	_ =	sfence.sel $0xFFFF  }
0xc7: {  	[dreg:$0x0] =	wrdreg $0xFFFFFFFF;
	(pc) =	sbr.abs _section_cstart, $3  }
0xc8: {  	[dreg:$0x1] =	wrdreg $0xFFFFFFFF  }
0xc9: {  	_ =	task.clear_ibuf [dreg:s8], $0x2FFFF;
	_ =	strace $0x9FFFFFFF  }
0xca: {  	(tm) =	ssettm $0x7FFFFFFF  }
0xcb: {  	_ =	shalt  }
tec
execute0_lowered:
.L_overlay_start_1:
0x0: {  	(tag) =	ssettag $0x1  }
0x1: {  	s0 =	rddreg [dreg:$0x0]  }
0x2: {  	s2 =	rddreg [dreg:$0x1]  }
0x3: {  	s5 =	rddreg [dreg:$0x2]  }
0x4: {  	s1 =	rddreg [dreg:$0x3];
	s4 =	simm.s32 $0x0;
	s3 =	srdreg.scid  }
0x5: {  	s30 =	simm.s32 $0x80;
	s31 =	simm.s32 $0x1;
	[smem:$0x7FF] =	sst s4  }
0x6: {  	s7 =	sand.u32 $0x1, s3;
	s3 =	stileid.u32;
	s4 =	sadd.s32 $0x5400, s5  }
0x7: {  	_ =	strace $0x80000047;
	s6 =	ssub.s32 $0x2, s7;
	s8 =	sshll.u32 s3, $0xA  }
0x8: {  	s10 =	sshll.u32 s3, $0xB;
	s21 =	sshll.u32 s3, $0xF;
	s22 =	sshll.u32 s3, $0x8  }
0x9: {  	p1 =	sne.s32 s7, $0x0;
	s9 =	sshrl.u32 s6, $0x1;
	s5 =	sadd.s32 s8, s5  }
0xa: {  	s11 =	sadd.s32 s2, s21;
	s23 =	sor.u32 $0x200, s10;
	s16 =	sor.u32 $0x400, s10  }
0xb: {  	s10 =	sor.u32 $0x600, s10;
	s26 =	sshrl.u32 s21, $0x2;
	s8 =	ssub.s32 s6, s9  }
0xc: {  	s9 =	sor.u32 s3, s7;
	[dreg:$0x5] =	wrdreg s11;
	s6 =	sadd.s32 s0, s22  }
0xd: {  	s25 =	sshll.u32 s23, $0x4;
	s11 =	sshrl.u32 s23, $0x3;
	s15 =	sshll.u32 s16, $0x4  }
0xe: {  	s16 =	sshrl.u32 s16, $0x3;
	s17 =	sshll.u32 s10, $0x4;
	s10 =	sshrl.u32 s10, $0x3  }
0xf: {  	s22 =	sadd.s32 s26, s1;
	s23 =	sadd.s32 $0x1400, s5;
	s7 =	simm.s32 $0x0  }
0x10: {  	s12 =	sadd.s32 $0x10, s6;
	s24 =	sadd.s32 $0x20, s6;
	s13 =	sadd.s32 $0x30, s6  }
0x11: {  	s11 =	sadd.s32 s0, s11;
	s14 =	sadd.s32 $0x70, s6;
	s15 =	sadd.s32 s2, s15  }
0x12: {  	s16 =	sadd.s32 s0, s16;
	s17 =	sadd.s32 s2, s17;
	s18 =	sadd.s32 $0x90, s6  }
0x13: {  	s19 =	sadd.s32 s0, s10;
	s20 =	sadd.s32 $0xA0, s6;
	p0 =	sne.s32 s9, $0x0  }
0x14: {  	s21 =	sadd.s32 $0xB0, s6;
	s26 =	sadd.s32 $0xD0, s6;
	[dreg:$0x6] =	wrdreg s12  }
.Ltmp0:
0x15: {  	s28 =	sadd.s32 $0xE0, s6;
	[dreg:$0x7] =	wrdreg s24;
	(pc) =	sbr.rel .LBB2_1-.Ltmp0, $4  }
0x16: {  	s29 =	sadd.s32 $0xF0, s6;
	s0 =	simm.s32 $0x4080;
	[dreg:$0x8] =	wrdreg s13  }
0x17: {  	s12 =	sadd.s32 s2, s25;
	[dreg:$0xa] =	wrdreg s11;
	s13 =	sadd.s32 $0x60, s6  }
0x18: {  	s24 =	sadd.s32 $0x9400, s5;
	s25 =	smax.u32 s8, $0x1;
	s2 =	simm.s32 $0x8080  }
0x19: {  	s5 =	simm.s32 $0xC080;
	[dreg:$0x9] =	wrdreg s12;
	s12 =	sadd.s32 $0x50, s6  }
.LBB2_5:
0x1a: {  	[bflag:$0x0] =	sbarrier.arrive $0xFFFF  }
.LBB2_6:
0x1b: {  	s7 =	sadd.s32 $0x1, s7  }
0x1c: {  	p2 =	sne.s32 s7, s25  }
.Ltmp1:
0x1d: {  	_ = 	snop;
	(pc) =	sbr.rel @!p2 .LBB2_7-.Ltmp1, $1  }
0x1e: {  	_ =	sdelay $0x3  }
.LBB2_1:
0x1f: {  	s8 =	sshll.u32 @!p0 s3, $0x6  }
0x20: {  	s9 =	sshrl.u32 @!p0 s1, $0x3;
	s8 =	sor.u32 @!p0 $0x1C01, s8  }
0x21: {  	[spmem:s9], [sflag:s8] =	dma.local @!p0 [hbm:s4], $0x4000  }
0x22: {  	s8 =	simm.s32 @!p0 $0x1  }
.Ltmp2:
0x23: {  	_ =	swait.ge @!p0 [sflag:s8], $0x4000;
	(pc) =	sbr.rel @p1 .LBB2_5-.Ltmp2, $3  }
0x24: {  	[sflag:s8] =	ssyncset.done @!p0 $0x0  }
0x25: {  	[sflag:s8] =	ssyncadd.s32 @!p0 $0xFFFFC000  }
0x26: {  	[bflag:$0x0] =	sbarrier.arrive $0xFFFF;
	_ =	sdelay $0x1  }
0x27: {  	s8 =	simm.s32 $0x0;
	s9 =	rddreg [dreg:$0x5]  }
0x28: {  	[tilespmem:s30], [sflag:$0x1] =	stream.linear.gather [hbm4b:s9+s8], $0x10000, $0x38;
	[tilespmem:$0x17080] =	vst v63  }
0x29: {  	_ =	swait.ge [sflag:s31], $0x10000  }
0x2a: {  	[sflag:s31] =	ssyncset.done $0x0  }
0x2b: {  	[sflag:s31] =	ssyncadd.s32 $0xFFFF0000  }
0x2c: {  	[tilespmem:s8], [sflag:$0x1] =	stream.linear.gather [hbm4b:s6+s8], $0x80, $0x38;
	[tilespmem:$0x17080] =	vst v63  }
0x2d: {  	_ =	swait.ge [sflag:s31], $0x80  }
0x2e: {  	[sflag:s31] =	ssyncset.done $0x0  }
0x2f: {  	[sflag:s31] =	ssyncadd.s32 $0xFFFFFF80  }
0x30: {  	[spmem:s1] =	stream.indirect.scatter.add.f32 [tilespmem:s30], [sflag:$0x1], $0x40, s8, s30, $0xb8;
	[tilespmem:$0x17080] =	vst v63  }
0x31: {  	_ =	swait.ge [sflag:s31], $0x2000  }
0x32: {  	[sflag:s31] =	ssyncset.done $0x0  }
0x33: {  	s11 =	rddreg [dreg:$0x6];
	[sflag:s31] =	ssyncadd.s32 $0xFFFFE000  }
0x34: {  	[tilespmem:s8], [sflag:$0x1] =	stream.linear.gather [hbm4b:s11+s8], $0x80, $0x38;
	[tilespmem:$0x17080] =	vst v63  }
0x35: {  	_ =	swait.ge [sflag:s31], $0x80  }
0x36: {  	[sflag:s31] =	ssyncset.done $0x0  }
0x37: {  	[sflag:s31] =	ssyncadd.s32 $0xFFFFFF80  }
0x38: {  	[spmem:s1] =	stream.indirect.scatter.add.f32 [tilespmem:s0], [sflag:$0x1], $0x40, s8, s30, $0xb8;
	[tilespmem:$0x17080] =	vst v63  }
0x39: {  	_ =	swait.ge [sflag:s31], $0x2000  }
0x3a: {  	[sflag:s31] =	ssyncset.done $0x0  }
0x3b: {  	s10 =	rddreg [dreg:$0x7];
	[sflag:s31] =	ssyncadd.s32 $0xFFFFE000  }
0x3c: {  	[tilespmem:s8], [sflag:$0x1] =	stream.linear.gather [hbm4b:s10+s8], $0x80, $0x38;
	[tilespmem:$0x17080] =	vst v63  }
0x3d: {  	_ =	swait.ge [sflag:s31], $0x80  }
0x3e: {  	[sflag:s31] =	ssyncset.done $0x0  }
0x3f: {  	[sflag:s31] =	ssyncadd.s32 $0xFFFFFF80  }
0x40: {  	[spmem:s1] =	stream.indirect.scatter.add.f32 [tilespmem:s2], [sflag:$0x1], $0x40, s8, s30, $0xb8;
	[tilespmem:$0x17080] =	vst v63  }
0x41: {  	_ =	swait.ge [sflag:s31], $0x2000  }
0x42: {  	[sflag:s31] =	ssyncset.done $0x0  }
0x43: {  	s11 =	rddreg [dreg:$0x8];
	[sflag:s31] =	ssyncadd.s32 $0xFFFFE000  }
0x44: {  	[tilespmem:s8], [sflag:$0x1] =	stream.linear.gather [hbm4b:s11+s8], $0x80, $0x38;
	[tilespmem:$0x17080] =	vst v63  }
0x45: {  	_ =	swait.ge [sflag:s31], $0x80  }
0x46: {  	[sflag:s31] =	ssyncset.done $0x0  }
0x47: {  	[sflag:s31] =	ssyncadd.s32 $0xFFFFFF80  }
0x48: {  	[spmem:s1] =	stream.indirect.scatter.add.f32 [tilespmem:s5], [sflag:$0x1], $0x40, s8, s30, $0xb8;
	[tilespmem:$0x17080] =	vst v63  }
0x49: {  	_ =	swait.ge [sflag:s31], $0x2000  }
0x4a: {  	[sflag:s31] =	ssyncset.done $0x0  }
0x4b: {  	s10 =	rddreg [dreg:$0x9];
	[sflag:s31] =	ssyncadd.s32 $0xFFFFE000  }
0x4c: {  	[tilespmem:s30], [sflag:$0x1] =	stream.linear.gather [hbm4b:s10+s8], $0x10000, $0x38;
	[tilespmem:$0x17080] =	vst v63  }
0x4d: {  	_ =	swait.ge [sflag:s31], $0x10000  }
0x4e: {  	[sflag:s31] =	ssyncset.done $0x0  }
0x4f: {  	s11 =	rddreg [dreg:$0xa];
	[sflag:s31] =	ssyncadd.s32 $0xFFFF0000  }
0x50: {  	[tilespmem:s8], [sflag:$0x1] =	stream.linear.gather [hbm4b:s11+s8], $0x80, $0x38;
	[tilespmem:$0x17080] =	vst v63  }
0x51: {  	_ =	swait.ge [sflag:s31], $0x80  }
0x52: {  	[sflag:s31] =	ssyncset.done $0x0  }
0x53: {  	[sflag:s31] =	ssyncadd.s32 $0xFFFFFF80  }
0x54: {  	[spmem:s1] =	stream.indirect.scatter.add.f32 [tilespmem:s30], [sflag:$0x1], $0x40, s8, s30, $0xb8;
	[tilespmem:$0x17080] =	vst v63  }
0x55: {  	_ =	swait.ge [sflag:s31], $0x2000  }
0x56: {  	[sflag:s31] =	ssyncset.done $0x0  }
0x57: {  	[sflag:s31] =	ssyncadd.s32 $0xFFFFE000  }
0x58: {  	[tilespmem:s8], [sflag:$0x1] =	stream.linear.gather [hbm4b:s12+s8], $0x80, $0x38;
	[tilespmem:$0x17080] =	vst v63  }
0x59: {  	_ =	swait.ge [sflag:s31], $0x80  }
0x5a: {  	[sflag:s31] =	ssyncset.done $0x0  }
0x5b: {  	[sflag:s31] =	ssyncadd.s32 $0xFFFFFF80  }
0x5c: {  	[spmem:s1] =	stream.indirect.scatter.add.f32 [tilespmem:s0], [sflag:$0x1], $0x40, s8, s30, $0xb8;
	[tilespmem:$0x17080] =	vst v63  }
0x5d: {  	_ =	swait.ge [sflag:s31], $0x2000  }
0x5e: {  	[sflag:s31] =	ssyncset.done $0x0  }
0x5f: {  	[sflag:s31] =	ssyncadd.s32 $0xFFFFE000  }
0x60: {  	[tilespmem:s8], [sflag:$0x1] =	stream.linear.gather [hbm4b:s13+s8], $0x80, $0x38;
	[tilespmem:$0x17080] =	vst v63  }
0x61: {  	_ =	swait.ge [sflag:s31], $0x80  }
0x62: {  	[sflag:s31] =	ssyncset.done $0x0  }
0x63: {  	[sflag:s31] =	ssyncadd.s32 $0xFFFFFF80  }
0x64: {  	[spmem:s1] =	stream.indirect.scatter.add.f32 [tilespmem:s2], [sflag:$0x1], $0x40, s8, s30, $0xb8;
	[tilespmem:$0x17080] =	vst v63  }
0x65: {  	_ =	swait.ge [sflag:s31], $0x2000  }
0x66: {  	[sflag:s31] =	ssyncset.done $0x0  }
0x67: {  	[sflag:s31] =	ssyncadd.s32 $0xFFFFE000  }
0x68: {  	[tilespmem:s8], [sflag:$0x1] =	stream.linear.gather [hbm4b:s14+s8], $0x80, $0x38;
	[tilespmem:$0x17080] =	vst v63  }
0x69: {  	_ =	swait.ge [sflag:s31], $0x80  }
0x6a: {  	[sflag:s31] =	ssyncset.done $0x0  }
0x6b: {  	[sflag:s31] =	ssyncadd.s32 $0xFFFFFF80  }
0x6c: {  	[spmem:s1] =	stream.indirect.scatter.add.f32 [tilespmem:s5], [sflag:$0x1], $0x40, s8, s30, $0xb8;
	[tilespmem:$0x17080] =	vst v63  }
0x6d: {  	_ =	swait.ge [sflag:s31], $0x2000  }
0x6e: {  	[sflag:s31] =	ssyncset.done $0x0  }
0x6f: {  	[sflag:s31] =	ssyncadd.s32 $0xFFFFE000  }
0x70: {  	[tilespmem:s30], [sflag:$0x1] =	stream.linear.gather [hbm4b:s15+s8], $0x10000, $0x38;
	[tilespmem:$0x17080] =	vst v63  }
0x71: {  	_ =	swait.ge [sflag:s31], $0x10000  }
0x72: {  	[sflag:s31] =	ssyncset.done $0x0  }
0x73: {  	[sflag:s31] =	ssyncadd.s32 $0xFFFF0000  }
0x74: {  	[tilespmem:s8], [sflag:$0x1] =	stream.linear.gather [hbm4b:s16+s8], $0x80, $0x38;
	[tilespmem:$0x17080] =	vst v63  }
0x75: {  	_ =	swait.ge [sflag:s31], $0x80  }
0x76: {  	[sflag:s31] =	ssyncset.done $0x0  }
0x77: {  	[sflag:s31] =	ssyncadd.s32 $0xFFFFFF80  }
0x78: {  	[spmem:s1] =	stream.indirect.scatter.add.f32 [tilespmem:s30], [sflag:$0x1], $0x40, s8, s30, $0xb8;
	[tilespmem:$0x17080] =	vst v63  }
0x79: {  	_ =	swait.ge [sflag:s31], $0x2000  }
0x7a: {  	[sflag:s31] =	ssyncset.done $0x0  }
0x7b: {  	[sflag:s31] =	ssyncadd.s32 $0xFFFFE000  }
0x7c: {  	[tilespmem:s8], [sflag:$0x1] =	stream.linear.gather [hbm4b:s18+s8], $0x80, $0x38;
	[tilespmem:$0x17080] =	vst v63  }
0x7d: {  	_ =	swait.ge [sflag:s31], $0x80  }
0x7e: {  	[sflag:s31] =	ssyncset.done $0x0  }
0x7f: {  	[sflag:s31] =	ssyncadd.s32 $0xFFFFFF80  }
0x80: {  	[spmem:s1] =	stream.indirect.scatter.add.f32 [tilespmem:s0], [sflag:$0x1], $0x40, s8, s30, $0xb8;
	[tilespmem:$0x17080] =	vst v63  }
0x81: {  	_ =	swait.ge [sflag:s31], $0x2000  }
0x82: {  	[sflag:s31] =	ssyncset.done $0x0  }
0x83: {  	[sflag:s31] =	ssyncadd.s32 $0xFFFFE000  }
0x84: {  	[tilespmem:s8], [sflag:$0x1] =	stream.linear.gather [hbm4b:s20+s8], $0x80, $0x38;
	[tilespmem:$0x17080] =	vst v63  }
0x85: {  	_ =	swait.ge [sflag:s31], $0x80  }
0x86: {  	[sflag:s31] =	ssyncset.done $0x0  }
0x87: {  	[sflag:s31] =	ssyncadd.s32 $0xFFFFFF80  }
0x88: {  	[spmem:s1] =	stream.indirect.scatter.add.f32 [tilespmem:s2], [sflag:$0x1], $0x40, s8, s30, $0xb8;
	[tilespmem:$0x17080] =	vst v63  }
0x89: {  	_ =	swait.ge [sflag:s31], $0x2000  }
0x8a: {  	[sflag:s31] =	ssyncset.done $0x0  }
0x8b: {  	[sflag:s31] =	ssyncadd.s32 $0xFFFFE000  }
0x8c: {  	[tilespmem:s8], [sflag:$0x1] =	stream.linear.gather [hbm4b:s21+s8], $0x80, $0x38;
	[tilespmem:$0x17080] =	vst v63  }
0x8d: {  	_ =	swait.ge [sflag:s31], $0x80  }
0x8e: {  	[sflag:s31] =	ssyncset.done $0x0  }
0x8f: {  	[sflag:s31] =	ssyncadd.s32 $0xFFFFFF80  }
0x90: {  	[spmem:s1] =	stream.indirect.scatter.add.f32 [tilespmem:s5], [sflag:$0x1], $0x40, s8, s30, $0xb8;
	[tilespmem:$0x17080] =	vst v63  }
0x91: {  	_ =	swait.ge [sflag:s31], $0x2000  }
0x92: {  	[sflag:s31] =	ssyncset.done $0x0  }
0x93: {  	[sflag:s31] =	ssyncadd.s32 $0xFFFFE000  }
0x94: {  	[tilespmem:s30], [sflag:$0x1] =	stream.linear.gather [hbm4b:s17+s8], $0x10000, $0x38;
	[tilespmem:$0x17080] =	vst v63  }
0x95: {  	_ =	swait.ge [sflag:s31], $0x10000  }
0x96: {  	[sflag:s31] =	ssyncset.done $0x0  }
0x97: {  	[sflag:s31] =	ssyncadd.s32 $0xFFFF0000  }
0x98: {  	[tilespmem:s8], [sflag:$0x1] =	stream.linear.gather [hbm4b:s19+s8], $0x80, $0x38;
	[tilespmem:$0x17080] =	vst v63  }
0x99: {  	_ =	swait.ge [sflag:s31], $0x80  }
0x9a: {  	[sflag:s31] =	ssyncset.done $0x0  }
0x9b: {  	[sflag:s31] =	ssyncadd.s32 $0xFFFFFF80  }
0x9c: {  	[spmem:s1] =	stream.indirect.scatter.add.f32 [tilespmem:s30], [sflag:$0x1], $0x40, s8, s30, $0xb8;
	[tilespmem:$0x17080] =	vst v63  }
0x9d: {  	_ =	swait.ge [sflag:s31], $0x2000  }
0x9e: {  	[sflag:s31] =	ssyncset.done $0x0  }
0x9f: {  	[sflag:s31] =	ssyncadd.s32 $0xFFFFE000  }
0xa0: {  	[tilespmem:s8], [sflag:$0x1] =	stream.linear.gather [hbm4b:s26+s8], $0x80, $0x38;
	[tilespmem:$0x17080] =	vst v63  }
0xa1: {  	_ =	swait.ge [sflag:s31], $0x80  }
0xa2: {  	[sflag:s31] =	ssyncset.done $0x0  }
0xa3: {  	[sflag:s31] =	ssyncadd.s32 $0xFFFFFF80  }
0xa4: {  	[spmem:s1] =	stream.indirect.scatter.add.f32 [tilespmem:s0], [sflag:$0x1], $0x40, s8, s30, $0xb8;
	[tilespmem:$0x17080] =	vst v63  }
0xa5: {  	_ =	swait.ge [sflag:s31], $0x2000  }
0xa6: {  	[sflag:s31] =	ssyncset.done $0x0  }
0xa7: {  	[sflag:s31] =	ssyncadd.s32 $0xFFFFE000  }
0xa8: {  	[tilespmem:s8], [sflag:$0x1] =	stream.linear.gather [hbm4b:s28+s8], $0x80, $0x38;
	[tilespmem:$0x17080] =	vst v63  }
0xa9: {  	_ =	swait.ge [sflag:s31], $0x80  }
0xaa: {  	[sflag:s31] =	ssyncset.done $0x0  }
0xab: {  	[sflag:s31] =	ssyncadd.s32 $0xFFFFFF80  }
0xac: {  	[spmem:s1] =	stream.indirect.scatter.add.f32 [tilespmem:s2], [sflag:$0x1], $0x40, s8, s30, $0xb8;
	[tilespmem:$0x17080] =	vst v63  }
0xad: {  	_ =	swait.ge [sflag:s31], $0x2000  }
0xae: {  	[sflag:s31] =	ssyncset.done $0x0  }
0xaf: {  	[sflag:s31] =	ssyncadd.s32 $0xFFFFE000  }
0xb0: {  	[tilespmem:s8], [sflag:$0x1] =	stream.linear.gather [hbm4b:s29+s8], $0x80, $0x38;
	[tilespmem:$0x17080] =	vst v63  }
0xb1: {  	_ =	swait.ge [sflag:s31], $0x80  }
0xb2: {  	[sflag:s31] =	ssyncset.done $0x0  }
0xb3: {  	[sflag:s31] =	ssyncadd.s32 $0xFFFFFF80  }
0xb4: {  	[spmem:s1] =	stream.indirect.scatter.add.f32 [tilespmem:s5], [sflag:$0x1], $0x40, s8, s30, $0xb8;
	[tilespmem:$0x17080] =	vst v63  }
0xb5: {  	_ =	swait.ge [sflag:s31], $0x2000  }
0xb6: {  	[sflag:s31] =	ssyncset.done $0x0  }
0xb7: {  	[sflag:s31] =	ssyncadd.s32 $0xFFFFE000  }
0xb8: {  	s10 =	simm.s32 $0x10080;
	[bflag:$0x0] =	sbarrier.arrive $0xFFFF  }
0xb9: {  	[tilespmem:s10], [sflag:$0x1] =	stream.linear.gather [spmem:s22], $0x2000, $0x38;
	[tilespmem:$0x17080] =	vst v63  }
0xba: {  	_ =	swait.ge [sflag:s31], $0x2000  }
0xbb: {  	[sflag:s31] =	ssyncset.done $0x0  }
0xbc: {  	s11 =	simm.s32 $0x12080;
	[sflag:s31] =	ssyncadd.s32 $0xFFFFE000  }
0xbd: {  	[tilespmem:s11], [sflag:$0x1] =	stream.linear.gather [hbm4b:s23+s8], $0x2000, $0x38;
	[tilespmem:$0x17080] =	vst v63  }
0xbe: {  	_ =	swait.ge [sflag:s31], $0x2000  }
0xbf: {  	[sflag:s31] =	ssyncset.done $0x0  }
0xc0: {  	s8 =	simm.s32 $0x0;
	[sflag:s31] =	ssyncadd.s32 $0xFFFFE000  }
0xc1: {  	v1 =	vld [tilespmem:s8+$0x120B0]  }
0xc2: {  	v2 =	vld [tilespmem:s8+$0x100B0]  }
0xc3: {  	v5 =	vld [tilespmem:s8+$0x12080]  }
0xc4: {  	v6 =	vld [tilespmem:s8+$0x10080]  }
0xc5: {  	v3 =	vld [tilespmem:s8+$0x12090]  }
0xc6: {  	v4 =	vld [tilespmem:s8+$0x10090]  }
0xc7: {  	v0 =	vld [tilespmem:s8+$0x120A0];
	v7 =	vmul.f32 $9.900000090e-01, v1;
	v8 =	vmul.f32 $9.999999770e-03, v2  }
0xc8: {  	s9 =	simm.s32 $0x80;
	v2 =	vld [tilespmem:s8+$0x100A0]  }
0xc9: {  	s10 =	simm.s32 $0x400;
	v5 =	vmul.f32 $9.900000090e-01, v5;
	v1 =	vld [tilespmem:s9+$0x120B0];
	v6 =	vmul.f32 $9.999999770e-03, v6;
	v7 =	vadd.f32 v8, v7  }
.LBB2_3:
0xca: {  	p2 =	sne.s32 s10, $0x7E00;
	v8 =	vld [tilespmem:s9+$0x100B0];
	v9 =	vmul.f32 $9.900000090e-01, v3  }
0xcb: {  	v10 =	vld [tilespmem:s9+$0x12080];
	v5 =	vadd.f32 v6, v5;
	v4 =	vmul.f32 $9.999999770e-03, v4;
	[tilespmem:s8+$0x140B0] =	vst v7  }
0xcc: {  	v6 =	vld [tilespmem:s9+$0x10080];
	v7 =	vmul.f32 $9.900000090e-01, v0  }
.Ltmp3:
0xcd: {  	v3 =	vld [tilespmem:s9+$0x12090];
	[tilespmem:s8+$0x14080] =	vst v5;
	v5 =	vadd.f32 v4, v9;
	v2 =	vmul.f32 $9.999999770e-03, v2;
	(pc) =	sbr.rel @p2 .LBB2_3-.Ltmp3, $4  }
0xce: {  	v4 =	vld [tilespmem:s9+$0x10090]  }
0xcf: {  	v9 =	vmul.f32 $9.900000090e-01, v1;
	v0 =	vld [tilespmem:s9+$0x120A0];
	v8 =	vmul.f32 $9.999999770e-03, v8;
	[tilespmem:s8+$0x14090] =	vst v5;
	v11 =	vadd.f32 v2, v7  }
0xd0: {  	s11 =	sshra.s32 s10, $0x2;
	v5 =	vmul.f32 $9.900000090e-01, v10;
	v2 =	vld [tilespmem:s9+$0x100A0]  }
0xd1: {  	s10 =	sadd.s32 $0x200, s10;
	v1 =	vld [tilespmem:s11+$0x120B0];
	v6 =	vmul.f32 $9.999999770e-03, v6;
	v7 =	vadd.f32 v8, v9;
	[tilespmem:s8+$0x140A0] =	vst v11;
	s8 =	smov.u32 s9;
	s9 =	smov.u32 s11  }
0xd2: {  	v8 =	vld [tilespmem:s9+$0x100B0]  }
0xd3: {  	v9 =	vld [tilespmem:s9+$0x12080];
	v3 =	vmul.f32 $9.900000090e-01, v3;
	[tilespmem:s8+$0x140B0] =	vst v7;
	v5 =	vadd.f32 v6, v5;
	v4 =	vmul.f32 $9.999999770e-03, v4  }
0xd4: {  	v57 =	vld [tilespmem:s9+$0x10080]  }
0xd5: {  	v7 =	vld [tilespmem:s9+$0x12090];
	[tilespmem:s8+$0x14080] =	vst v5;
	v3 =	vadd.f32 v4, v3  }
0xd6: {  	v58 =	vld [tilespmem:s9+$0x10090]  }
0xd7: {  	v5 =	vld [tilespmem:s9+$0x120A0];
	[tilespmem:s8+$0x14090] =	vst v3  }
0xd8: {  	v3 =	vld [tilespmem:s9+$0x100A0]  }
0xd9: {  	v0 =	vmul.f32 $9.900000090e-01, v0;
	v2 =	vmul.f32 $9.999999770e-03, v2  }
0xda: {  	v1 =	vmul.f32 $9.900000090e-01, v1;
	v8 =	vmul.f32 $9.999999770e-03, v8  }
0xdb: {  	v0 =	vadd.f32 v2, v0;
	v59 =	vmul.f32 $9.900000090e-01, v9;
	v6 =	vmul.f32 $9.999999770e-03, v57  }
0xdc: {  	v1 =	vadd.f32 v8, v1;
	v7 =	vmul.f32 $9.900000090e-01, v7;
	v4 =	vmul.f32 $9.999999770e-03, v58  }
0xdd: {  	[tilespmem:s8+$0x140A0] =	vst v0;
	v60 =	vadd.f32 v6, v59;
	v61 =	vmul.f32 $9.900000090e-01, v5;
	v3 =	vmul.f32 $9.999999770e-03, v3  }
0xde: {  	[tilespmem:s9+$0x140B0] =	vst v1;
	v62 =	vadd.f32 v4, v7  }
0xdf: {  	[tilespmem:s9+$0x14080] =	vst v60;
	v63 =	vadd.f32 v3, v61  }
0xe0: {  	[tilespmem:s9+$0x14090] =	vst v62  }
.Ltmp4:
0xe1: {  	s10 =	simm.s32 $0x0;
	s11 =	simm.s32 $0x14080;
	[tilespmem:s9+$0x140A0] =	vst v63;
	(pc) =	sbr.rel .LBB2_6-.Ltmp4, $4  }
0xe2: {  	[hbm4b:s24+s10] =	stream.linear.scatter [tilespmem:s11], [sflag:$0x1], $0x2000, $0x38;
	[tilespmem:$0x17080] =	vst v63  }
0xe3: {  	_ =	swait.ge [sflag:s31], $0x2000  }
0xe4: {  	[sflag:s31] =	ssyncset.done $0x0  }
0xe5: {  	[sflag:s31] =	ssyncadd.s32 $0xFFFFE000  }
.LBB2_7:
0xe6: {  	_ =	sfence.sel $0x180000  }
0xe7: {  	[bflag:$0x0] =	sbarrier.arrive $0xFFFF  }
0xe8: {  	_ =	strace $0x90000047  }
0xe9: {  	[bflag:$0x2] =	sbarrier.arrive $0xFFFF  }
0xea: {  	p0 =	sne.s32 s3, $0x0;
	s0 =	rddreg [dreg:$0x4]  }
0xeb: {  	s0 =	sadd.s32 @!p0 $0x100000, s0  }
0xec: {  	[sflag:s0] =	ssyncadd.tile.s32 @!p0 $0x1;
	_ =	shalt  }
.Lfunc_end2:
_tile_overlayer_lowered:
.L_overlay_start_2:
0xed: {  	(tag) =	ssettag $0x2  }
0xee: {  	s0 =	rddreg [dreg:$0x0];
	s2 =	stileid.u32  }
0xef: {  	s1 =	rddreg [dreg:$0x1];
	p0 =	sne.s32 s2, $0x0  }
0xf0: {  	s3 =	rddreg [dreg:$0x2];
	[bflag:$0x3] =	sbarrier.arrive $0xFFFF;
	s2 =	simm.s32 @!p0 $0x1C01  }
0xf1: {  	[timem:s3], [sflag:s2] =	dma.local @!p0 [hbm:s0], s1  }
0xf2: {  	s0 =	simm.s32 @!p0 $0x1  }
0xf3: {  	_ =	swait.ge @!p0 [sflag:s0], s1  }
0xf4: {  	s1 =	ssub.s32 @!p0 $0x0, s1;
	[sflag:s0] =	ssyncset.done @!p0 $0x0  }
0xf5: {  	[sflag:s0] =	ssyncadd.s32 @!p0 s1  }
0xf6: {  	[bflag:$0x3] =	sbarrier.arrive $0xFFFF  }
0xf7: {  	_ =	shalt  }

</sc_bundles>
